<compile_context>
chip_gen: v7x
topology: tpu7x:2x2x1
jax: 0.10.2.dev20260603
libtpu: 0.0.44.dev20260713+nightly
codegen_flags: <defaults>
</compile_context>

<pallas_src>
import functools

import jax
import jax.numpy as jnp
from jax import lax
from jax.experimental import pallas as pl
from jax.experimental.pallas import tpu as pltpu
from jax.experimental.pallas import tpu_sc as plsc

_NC = 2
_NS = 16
_NW = _NC * _NS
_CH = 128


def _fill_vmem(ref, rows, cols, value):
    per_row = cols // 16

    def body(i, _):
        r = i // per_row
        c = (i % per_row) * 16
        ref[r, pl.ds(c, 16)] = jnp.full((16,), value, ref.dtype)
        return 0

    lax.fori_loop(0, rows * per_row, body, 0)


def _fill_vmem1(ref, n, value):

    def body(i, _):
        ref[pl.ds(i * 16, 16)] = jnp.full((16,), value, ref.dtype)
        return 0

    lax.fori_loop(0, n // 16, body, 0)


def _make_deg_kernel(np_, nchunks):
    mesh = plsc.VectorSubcoreMesh(core_axis_name="c", subcore_axis_name="s")
    rpt = np_ // _NS

    @functools.partial(
        pl.kernel,
        mesh=mesh,
        out_type=jax.ShapeDtypeStruct((_NC * np_, _CH), jnp.float32),
        scratch_types=[
            pltpu.VMEM_SHARED((np_, _CH), jnp.float32),
            pltpu.VMEM((nchunks, _CH), jnp.int32),
            pltpu.VMEM((_CH, _CH), jnp.float32),
        ],
    )
    def deg_kernel(dst_hbm, out_hbm, acc, dstv, ones_v):
        c = lax.axis_index("c")
        s = lax.axis_index("s")
        wid = s * _NC + c
        pltpu.sync_copy(dst_hbm.at[wid], dstv)
        _fill_vmem(ones_v, _CH, _CH, 0.0)
        base = s * rpt
        for k in range(rpt // _CH):
            pltpu.sync_copy(ones_v, acc.at[pl.ds(base + k * _CH, _CH)])
        _fill_vmem(ones_v, _CH, _CH, 1.0)
        plsc.subcore_barrier()

        def chunk(j, _):
            pltpu.sync_copy(ones_v, acc.at[dstv.at[j]], add=True)
            return 0

        lax.fori_loop(0, nchunks, chunk, 0)
        plsc.subcore_barrier()
        for k in range(rpt // _CH):
            pltpu.sync_copy(acc.at[pl.ds(base + k * _CH, _CH)], ones_v)
            pltpu.sync_copy(ones_v,
                            out_hbm.at[pl.ds(c * np_ + base + k * _CH, _CH)])

    return deg_kernel


def _make_prop_kernel(np_, nchunks, d):
    mesh = plsc.VectorSubcoreMesh(core_axis_name="c", subcore_axis_name="s")
    rpt = np_ // _NS

    @functools.partial(
        pl.kernel,
        mesh=mesh,
        out_type=jax.ShapeDtypeStruct((_NC * np_, d), jnp.float32),
        scratch_types=[
            pltpu.VMEM_SHARED((np_, d), jnp.float32),
            pltpu.VMEM((nchunks, _CH), jnp.int32),
            pltpu.VMEM((nchunks, _CH), jnp.int32),
            pltpu.VMEM((_CH, d), jnp.float32),
            pltpu.SemaphoreType.DMA,
        ],
    )
    def prop_kernel(z_hbm, src_hbm, dst_hbm, out_hbm, acc, srcv, dstv, rows_v, sem):
        c = lax.axis_index("c")
        s = lax.axis_index("s")
        wid = s * _NC + c
        pltpu.sync_copy(src_hbm.at[wid], srcv)
        pltpu.sync_copy(dst_hbm.at[wid], dstv)
        _fill_vmem(rows_v, _CH, d, 0.0)
        base = s * rpt
        for k in range(rpt // _CH):
            pltpu.sync_copy(rows_v, acc.at[pl.ds(base + k * _CH, _CH)])
        plsc.subcore_barrier()

        def chunk(j, _):
            pltpu.async_copy(z_hbm.at[srcv.at[j]], rows_v, sem).wait()
            pltpu.sync_copy(rows_v, acc.at[dstv.at[j]], add=True)
            return 0

        lax.fori_loop(0, nchunks, chunk, 0)
        plsc.subcore_barrier()
        for k in range(rpt // _CH):
            pltpu.sync_copy(acc.at[pl.ds(base + k * _CH, _CH)], rows_v)
            pltpu.sync_copy(rows_v,
                            out_hbm.at[pl.ds(c * np_ + base + k * _CH, _CH)])

    return prop_kernel


def _dinv_from_deg(degp_ref):
    deg = degp_ref[0, :, 0:1] + degp_ref[1, :, 0:1] + 1.0
    return lax.rsqrt(deg)


def _z1_body(x_ref, w_ref, degp_ref, o_ref):
    dinv = _dinv_from_deg(degp_ref)
    xw = jnp.dot(x_ref[...], w_ref[...], preferred_element_type=jnp.float32)
    o_ref[...] = xw * dinv


def _mid_body(a_ref, z1_ref, degp_ref, b1_ref, w2_ref, o_ref):
    dinv = _dinv_from_deg(degp_ref)
    h = (a_ref[0] + a_ref[1] + z1_ref[...]) * dinv + b1_ref[...]
    h = jnp.maximum(h, 0.0)
    hw = jnp.dot(h, w2_ref[...], preferred_element_type=jnp.float32)
    o_ref[...] = hw * dinv


def _out_body(a_ref, z2_ref, degp_ref, b2_ref, o_ref):
    dinv = _dinv_from_deg(degp_ref)
    dc = o_ref.shape[1]
    s = (a_ref[0] + a_ref[1] + z2_ref[...])[:, :dc]
    o_ref[...] = s * dinv + b2_ref[...]


def kernel(x, edge_index, W1, b1, W2, b2):
    n, dfeat = x.shape
    dh = W1.shape[1]
    dc = W2.shape[1]
    dcp = -(-dc // 128) * 128
    e = edge_index.shape[1]

    np_ = -(-(n + 1) // (_NS * _CH)) * (_NS * _CH)
    ep = -(-e // (_NW * _CH * 8)) * (_NW * _CH * 8)
    nchunks = ep // (_NW * _CH)

    ei = edge_index.astype(jnp.int32)
    pad = n + jnp.arange(ep - e, dtype=jnp.int32) % (np_ - n)
    src = jnp.concatenate([ei[0], pad]).reshape(_NW, nchunks, _CH)
    dst = jnp.concatenate([ei[1], pad]).reshape(_NW, nchunks, _CH)

    xp = jnp.pad(x, ((0, np_ - n), (0, 0)))

    degp = _make_deg_kernel(np_, nchunks)(dst).reshape(_NC, np_, _CH)

    rblk = 2048
    grid = (np_ // rblk,)
    degp_spec = pl.BlockSpec((_NC, rblk, _CH), lambda r: (0, r, 0))

    z1 = pl.pallas_call(
        _z1_body,
        grid=grid,
        in_specs=[
            pl.BlockSpec((rblk, dfeat), lambda r: (r, 0)),
            pl.BlockSpec((dfeat, dh), lambda r: (0, 0)),
            degp_spec,
        ],
        out_specs=pl.BlockSpec((rblk, dh), lambda r: (r, 0)),
        out_shape=jax.ShapeDtypeStruct((np_, dh), jnp.float32),
    )(xp, W1, degp)

    prop1 = _make_prop_kernel(np_, nchunks, dh)
    acc1 = prop1(z1, src, dst).reshape(_NC, np_, dh)

    z2 = pl.pallas_call(
        _mid_body,
        grid=grid,
        in_specs=[
            pl.BlockSpec((_NC, rblk, dh), lambda r: (0, r, 0)),
            pl.BlockSpec((rblk, dh), lambda r: (r, 0)),
            degp_spec,
            pl.BlockSpec((1, dh), lambda r: (0, 0)),
            pl.BlockSpec((dh, dcp), lambda r: (0, 0)),
        ],
        out_specs=pl.BlockSpec((rblk, dcp), lambda r: (r, 0)),
        out_shape=jax.ShapeDtypeStruct((np_, dcp), jnp.float32),
    )(acc1, z1, degp, b1.reshape(1, dh), jnp.pad(W2, ((0, 0), (0, dcp - dc))))

    prop2 = _make_prop_kernel(np_, nchunks, dcp)
    acc2 = prop2(z2, src, dst).reshape(_NC, np_, dcp)

    out = pl.pallas_call(
        _out_body,
        grid=grid,
        in_specs=[
            pl.BlockSpec((_NC, rblk, dcp), lambda r: (0, r, 0)),
            pl.BlockSpec((rblk, dcp), lambda r: (r, 0)),
            degp_spec,
            pl.BlockSpec((1, dc), lambda r: (0, 0)),
        ],
        out_specs=pl.BlockSpec((rblk, dc), lambda r: (r, 0)),
        out_shape=jax.ShapeDtypeStruct((np_, dc), jnp.float32),
    )(acc2, z2, degp, b2.reshape(1, dc))

    return out[:n]

# --- scband reference (transcript-rebuilt; emitter-appended) ---
"""Pipeline reference for scband-gcn-18837726560519 (READ-ONLY COPY).

The authoritative reference and input builder live on the scoring server;
editing this copy changes nothing except your own understanding.
"""

import jax, jax.numpy as jnp
import numpy as np

N_NODES = 10000
N_EDGES = 320000
D_FEAT = 128
D_HID = 128
N_CLASSES = 64


def gcn_conv(x, edge_index, W, b, n_nodes):
    # PyG GCNConv (default: add_self_loops=True, normalize=True, cached=False)
    src = edge_index[0]
    dst = edge_index[1]
    loop = jnp.arange(n_nodes, dtype=edge_index.dtype)
    src = jnp.concatenate([src, loop])
    dst = jnp.concatenate([dst, loop])
    # edge_weight is None -> ones
    ew = jnp.ones(src.shape[0], dtype=x.dtype)
    # symmetric normalization: deg computed over dst (col)
    deg = jnp.zeros((n_nodes,), dtype=x.dtype).at[dst].add(ew)
    deg_inv_sqrt = jnp.where(deg > 0, jax.lax.rsqrt(jnp.where(deg > 0, deg, 1.0)), 0.0)
    norm = deg_inv_sqrt[src] * ew * deg_inv_sqrt[dst]
    # linear transform first (GCNConv: x = self.lin(x))
    xw = x @ W
    # gather messages from src, scale, scatter-add to dst
    msg = xw[src] * norm[:, None]
    out = jnp.zeros((n_nodes, xw.shape[1]), dtype=x.dtype).at[dst].add(msg)
    return out + b


def setup_inputs(seed: int = 0) -> dict:
    key = jax.random.key(seed)
    k1, k2, k3, k4, k5, k6 = jax.random.split(key, 6)
    x = jax.random.normal(k1, (N_NODES, D_FEAT), dtype=jnp.float32)
    edge_index = jax.random.randint(k2, (2, N_EDGES), 0, N_NODES, dtype=jnp.int64)
    W1 = jax.random.normal(k3, (D_FEAT, D_HID), dtype=jnp.float32) * 0.05
    b1 = jax.random.normal(k4, (D_HID,), dtype=jnp.float32) * 0.05
    W2 = jax.random.normal(k5, (D_HID, N_CLASSES), dtype=jnp.float32) * 0.05
    b2 = jax.random.normal(k6, (N_CLASSES,), dtype=jnp.float32) * 0.05
    return {"x": x, "edge_index": edge_index, "W1": W1, "b1": b1, "W2": W2, "b2": b2}


def reference(x, edge_index, W1, b1, W2, b2):
    h = gcn_conv(x, edge_index, W1, b1, N_NODES)
    h = jax.nn.relu(h)
    # F.dropout with training=False (inference) -> identity
    out = gcn_conv(h, edge_index, W2, b2, N_NODES)
    return out

if __name__ == "__main__":
    import jax
    _d = setup_inputs()
    print(jax.jit(kernel)(*tuple(_d.values())))

</pallas_src>

<mosaic_0001>
#map = affine_map<(d0, d1) -> (0, 0)>
#map1 = affine_map<(d0, d1) -> (0, 0, 0)>
module attributes {stable_mosaic.version = 14 : i64} {
  func.func @prop_kernel(%arg0: i32, %arg1: i32, %arg2: memref<10240x128xf32, #tpu.memory_space<hbm>>, %arg3: memref<32x80x128xi32, #tpu.memory_space<hbm>>, %arg4: memref<32x80x128xi32, #tpu.memory_space<hbm>>, %arg5: memref<20480x128xf32, #tpu.memory_space<hbm>>, %arg6: memref<10240x128xf32, #tpu.memory_space<vmem_shared>>, %arg7: memref<80x128xi32, #tpu.memory_space<vmem>>, %arg8: memref<80x128xi32, #tpu.memory_space<vmem>>, %arg9: memref<128x128xf32, #tpu.memory_space<vmem>>, %arg10: memref<!tpu.dma_semaphore, #tpu.memory_space<semaphore_mem>>) attributes {dimension_semantics = [#tpu.dimension_semantics<core_parallel>, #tpu.dimension_semantics<subcore_parallel>], iteration_bounds = array<i64: 2, 16>, scalar_prefetch = 0 : i64, scratch_operands = 5 : i64, tpu.core_type = #tpu.core_type<sc_vector_subcore>, window_params = [{transform_indices = #map}, {transform_indices = #map1}, {transform_indices = #map1}, {transform_indices = #map}]} {
    %mul3A = arith.constant 2 : i32
    %mul3A_0 = arith.muli %arg1, %mul3A : i32
    %add3A = arith.addi %mul3A_0, %arg0 : i32
    "tpu.region"() ({
      %run_scoped3A = tpu.sem_alloc : memref<!tpu.dma_semaphore, #tpu.memory_space<semaphore_mem>>
      %dma_start3A = arith.constant 0 : i32
      %dma_start3A_62 = arith.constant 0 : i32
      %dma_start3A_63 = tpu.memref_slice %arg3[%add3A, %dma_start3A, %dma_start3A_62] : memref<32x80x128xi32, #tpu.memory_space<hbm>> -> memref<1x80x128xi32, #tpu.memory_space<hbm>>
      %dma_start3A_64 = tpu.memref_squeeze %dma_start3A_63 : memref<1x80x128xi32, #tpu.memory_space<hbm>> -> memref<80x128xi32, #tpu.memory_space<hbm>>
      %dma_start3A_65 = arith.constant 0 : i32
      %dma_start3A_66 = arith.constant 0 : i32
      %dma_start3A_67 = tpu.memref_slice %arg3[%add3A, %dma_start3A_65, %dma_start3A_66] : memref<32x80x128xi32, #tpu.memory_space<hbm>> -> memref<1x80x128xi32, #tpu.memory_space<hbm>>
      %dma_start3A_68 = tpu.memref_squeeze %dma_start3A_67 : memref<1x80x128xi32, #tpu.memory_space<hbm>> -> memref<80x128xi32, #tpu.memory_space<hbm>>
      tpu.enqueue_dma source(%dma_start3A_68 : memref<80x128xi32, #tpu.memory_space<hbm>>) target(%arg7 : memref<80x128xi32, #tpu.memory_space<vmem>>) target_semaphore(%run_scoped3A : memref<!tpu.dma_semaphore, #tpu.memory_space<semaphore_mem>>)
      %dma_wait3A = arith.constant 0 : i32
      %dma_wait3A_69 = arith.constant 0 : i32
      %dma_wait3A_70 = tpu.memref_slice %arg3[%add3A, %dma_wait3A, %dma_wait3A_69] : memref<32x80x128xi32, #tpu.memory_space<hbm>> -> memref<1x80x128xi32, #tpu.memory_space<hbm>>
      %dma_wait3A_71 = tpu.memref_squeeze %dma_wait3A_70 : memref<1x80x128xi32, #tpu.memory_space<hbm>> -> memref<80x128xi32, #tpu.memory_space<hbm>>
      %dma_wait3A_72 = arith.constant 0 : i32
      %dma_wait3A_73 = arith.constant 0 : i32
      %dma_wait3A_74 = tpu.memref_slice %arg3[%add3A, %dma_wait3A_72, %dma_wait3A_73] : memref<32x80x128xi32, #tpu.memory_space<hbm>> -> memref<1x80x128xi32, #tpu.memory_space<hbm>>
      %dma_wait3A_75 = tpu.memref_squeeze %dma_wait3A_74 : memref<1x80x128xi32, #tpu.memory_space<hbm>> -> memref<80x128xi32, #tpu.memory_space<hbm>>
      tpu.wait_dma2 semaphore(%run_scoped3A : memref<!tpu.dma_semaphore, #tpu.memory_space<semaphore_mem>>) src(%dma_wait3A_75 : memref<80x128xi32, #tpu.memory_space<hbm>>) dst(%arg7 : memref<80x128xi32, #tpu.memory_space<vmem>>)
      tpu.yield
    }) : () -> ()
    "tpu.region"() ({
      %run_scoped3A = tpu.sem_alloc : memref<!tpu.dma_semaphore, #tpu.memory_space<semaphore_mem>>
      %dma_start3A = arith.constant 0 : i32
      %dma_start3A_62 = arith.constant 0 : i32
      %dma_start3A_63 = tpu.memref_slice %arg4[%add3A, %dma_start3A, %dma_start3A_62] : memref<32x80x128xi32, #tpu.memory_space<hbm>> -> memref<1x80x128xi32, #tpu.memory_space<hbm>>
      %dma_start3A_64 = tpu.memref_squeeze %dma_start3A_63 : memref<1x80x128xi32, #tpu.memory_space<hbm>> -> memref<80x128xi32, #tpu.memory_space<hbm>>
      %dma_start3A_65 = arith.constant 0 : i32
      %dma_start3A_66 = arith.constant 0 : i32
      %dma_start3A_67 = tpu.memref_slice %arg4[%add3A, %dma_start3A_65, %dma_start3A_66] : memref<32x80x128xi32, #tpu.memory_space<hbm>> -> memref<1x80x128xi32, #tpu.memory_space<hbm>>
      %dma_start3A_68 = tpu.memref_squeeze %dma_start3A_67 : memref<1x80x128xi32, #tpu.memory_space<hbm>> -> memref<80x128xi32, #tpu.memory_space<hbm>>
      tpu.enqueue_dma source(%dma_start3A_68 : memref<80x128xi32, #tpu.memory_space<hbm>>) target(%arg8 : memref<80x128xi32, #tpu.memory_space<vmem>>) target_semaphore(%run_scoped3A : memref<!tpu.dma_semaphore, #tpu.memory_space<semaphore_mem>>)
      %dma_wait3A = arith.constant 0 : i32
      %dma_wait3A_69 = arith.constant 0 : i32
      %dma_wait3A_70 = tpu.memref_slice %arg4[%add3A, %dma_wait3A, %dma_wait3A_69] : memref<32x80x128xi32, #tpu.memory_space<hbm>> -> memref<1x80x128xi32, #tpu.memory_space<hbm>>
      %dma_wait3A_71 = tpu.memref_squeeze %dma_wait3A_70 : memref<1x80x128xi32, #tpu.memory_space<hbm>> -> memref<80x128xi32, #tpu.memory_space<hbm>>
      %dma_wait3A_72 = arith.constant 0 : i32
      %dma_wait3A_73 = arith.constant 0 : i32
      %dma_wait3A_74 = tpu.memref_slice %arg4[%add3A, %dma_wait3A_72, %dma_wait3A_73] : memref<32x80x128xi32, #tpu.memory_space<hbm>> -> memref<1x80x128xi32, #tpu.memory_space<hbm>>
      %dma_wait3A_75 = tpu.memref_squeeze %dma_wait3A_74 : memref<1x80x128xi32, #tpu.memory_space<hbm>> -> memref<80x128xi32, #tpu.memory_space<hbm>>
      tpu.wait_dma2 semaphore(%run_scoped3A : memref<!tpu.dma_semaphore, #tpu.memory_space<semaphore_mem>>) src(%dma_wait3A_75 : memref<80x128xi32, #tpu.memory_space<hbm>>) dst(%arg8 : memref<80x128xi32, #tpu.memory_space<vmem>>)
      tpu.yield
    }) : () -> ()
    %scan3A = arith.constant 0 : i32
    %scan3A_1 = arith.constant 0 : i32
    %scan3A_2 = arith.constant 1024 : i32
    %scan3A_3 = arith.addi %scan3A_1, %scan3A_2 : i32
    %scan3A_4 = arith.constant 1 : i32
    %scan3A_5 = scf.for %scan3A_62 = %scan3A_1 to %scan3A_3 step %scan3A_4 iter_args(%scan3A_63 = %scan3A) -> (i32)  : i32 {
      %jit3A = arith.constant 8 : i32
      %div3A = arith.divsi %scan3A_62, %jit3A : i32
      %sign3A = arith.constant 0 : i32
      %sign3A_64 = arith.cmpi sgt, %scan3A_62, %sign3A : i32
      %sign3A_65 = arith.extui %sign3A_64 : i1 to i32
      %sign3A_66 = arith.constant 0 : i32
      %sign3A_67 = arith.cmpi slt, %scan3A_62, %sign3A_66 : i32
      %sign3A_68 = arith.extui %sign3A_67 : i1 to i32
      %sign3A_69 = arith.subi %sign3A_65, %sign3A_68 : i32
      %sign3A_70 = arith.constant 0 : i32
      %sign3A_71 = arith.cmpi sgt, %jit3A, %sign3A_70 : i32
      %sign3A_72 = arith.extui %sign3A_71 : i1 to i32
      %sign3A_73 = arith.constant 0 : i32
      %sign3A_74 = arith.cmpi slt, %jit3A, %sign3A_73 : i32
      %sign3A_75 = arith.extui %sign3A_74 : i1 to i32
      %sign3A_76 = arith.subi %sign3A_72, %sign3A_75 : i32
      %ne3A = arith.cmpi ne, %sign3A_69, %sign3A_76 : i32
      %rem3A = arith.remsi %scan3A_62, %jit3A : i32
      %ne3A_77 = arith.constant 0 : i32
      %ne3A_78 = arith.cmpi ne, %rem3A, %ne3A_77 : i32
      %and3A = arith.andi %ne3A, %ne3A_78 : i1
      %sub3A = arith.constant 1 : i32
      %sub3A_79 = arith.subi %div3A, %sub3A : i32
      %select_n3A = arith.select %and3A, %sub3A_79, %div3A : i32
      %jit3A_80 = arith.constant 8 : i32
      %eq3A = arith.constant 0 : i32
      %eq3A_81 = arith.cmpi eq, %jit3A_80, %eq3A : i32
      %jit3A_82 = arith.constant 1 : i32
      %select_n3A_83 = arith.select %eq3A_81, %jit3A_82, %jit3A_80 : i32
      %rem3A_84 = arith.remsi %scan3A_62, %select_n3A_83 : i32
      %ne3A_85 = arith.constant 0 : i32
      %ne3A_86 = arith.cmpi ne, %rem3A_84, %ne3A_85 : i32
      %lt3A = arith.constant 0 : i32
      %lt3A_87 = arith.cmpi slt, %rem3A_84, %lt3A : i32
      %lt3A_88 = arith.constant 0 : i32
      %lt3A_89 = arith.cmpi slt, %select_n3A_83, %lt3A_88 : i32
      %ne3A_90 = arith.xori %lt3A_87, %lt3A_89 : i1
      %and3A_91 = arith.andi %ne3A_90, %ne3A_86 : i1
      %add3A_92 = arith.addi %rem3A_84, %select_n3A_83 : i32
      %select_n3A_93 = arith.select %and3A_91, %add3A_92, %rem3A_84 : i32
      %mul3A_94 = arith.constant 16 : i32
      %mul3A_95 = arith.muli %select_n3A_93, %mul3A_94 : i32
      %broadcast_in_dim3A = arith.constant 0.000000e+00 : f32
      %broadcast_in_dim3A_96 = vector.broadcast %broadcast_in_dim3A : f32 to vector<16xf32>
      %swap3A = arith.index_cast %select_n3A : i32 to index
      %swap3A_97 = arith.index_cast %mul3A_95 : i32 to index
      %swap3A_98 = tpu.vector_load %arg9[%swap3A, %swap3A_97] {strides = array<i32>} : memref<128x128xf32, #tpu.memory_space<vmem>>, vector<1x16xf32>,
      %swap3A_99 = vector.shape_cast %swap3A_98 : vector<1x16xf32> to vector<16xf32>
      %swap3A_100 = vector.shape_cast %broadcast_in_dim3A_96 : vector<16xf32> to vector<1x16xf32>
      tpu.vector_store %arg9[%swap3A, %swap3A_97], %swap3A_100 {strides = array<i32>} : memref<128x128xf32, #tpu.memory_space<vmem>>, vector<1x16xf32>,
      %scan3A_101 = arith.constant 0 : i32
      scf.yield %scan3A_101 : i32
    }
    %scan3A_6 = arith.constant 1024 : i32
    %mul3A_7 = arith.constant 640 : i32
    %mul3A_8 = arith.muli %arg1, %mul3A_7 : i32
    %add3A_9 = arith.constant 0 : i32
    %add3A_10 = arith.addi %mul3A_8, %add3A_9 : i32
    "tpu.region"() ({
      %run_scoped3A = tpu.sem_alloc : memref<!tpu.dma_semaphore, #tpu.memory_space<semaphore_mem>>
      %dma_start3A = arith.constant 0 : i32
      %dma_start3A_62 = tpu.memref_slice %arg6[%add3A_10, %dma_start3A] : memref<10240x128xf32, #tpu.memory_space<vmem_shared>> -> memref<128x128xf32, #tpu.memory_space<vmem_shared>>
      %dma_start3A_63 = arith.constant 0 : i32
      %dma_start3A_64 = tpu.memref_slice %arg6[%add3A_10, %dma_start3A_63] : memref<10240x128xf32, #tpu.memory_space<vmem_shared>> -> memref<128x128xf32, #tpu.memory_space<vmem_shared>>
      tpu.enqueue_dma source(%arg9 : memref<128x128xf32, #tpu.memory_space<vmem>>) target(%dma_start3A_64 : memref<128x128xf32, #tpu.memory_space<vmem_shared>>) target_semaphore(%run_scoped3A : memref<!tpu.dma_semaphore, #tpu.memory_space<semaphore_mem>>)
      %dma_wait3A = arith.constant 0 : i32
      %dma_wait3A_65 = tpu.memref_slice %arg6[%add3A_10, %dma_wait3A] : memref<10240x128xf32, #tpu.memory_space<vmem_shared>> -> memref<128x128xf32, #tpu.memory_space<vmem_shared>>
      %dma_wait3A_66 = arith.constant 0 : i32
      %dma_wait3A_67 = tpu.memref_slice %arg6[%add3A_10, %dma_wait3A_66] : memref<10240x128xf32, #tpu.memory_space<vmem_shared>> -> memref<128x128xf32, #tpu.memory_space<vmem_shared>>
      tpu.wait_dma2 semaphore(%run_scoped3A : memref<!tpu.dma_semaphore, #tpu.memory_space<semaphore_mem>>) src(%arg9 : memref<128x128xf32, #tpu.memory_space<vmem>>) dst(%dma_wait3A_67 : memref<128x128xf32, #tpu.memory_space<vmem_shared>>)
      tpu.yield
    }) : () -> ()
    %add3A_11 = arith.constant 128 : i32
    %add3A_12 = arith.addi %mul3A_8, %add3A_11 : i32
    "tpu.region"() ({
      %run_scoped3A = tpu.sem_alloc : memref<!tpu.dma_semaphore, #tpu.memory_space<semaphore_mem>>
      %dma_start3A = arith.constant 0 : i32
      %dma_start3A_62 = tpu.memref_slice %arg6[%add3A_12, %dma_start3A] : memref<10240x128xf32, #tpu.memory_space<vmem_shared>> -> memref<128x128xf32, #tpu.memory_space<vmem_shared>>
      %dma_start3A_63 = arith.constant 0 : i32
      %dma_start3A_64 = tpu.memref_slice %arg6[%add3A_12, %dma_start3A_63] : memref<10240x128xf32, #tpu.memory_space<vmem_shared>> -> memref<128x128xf32, #tpu.memory_space<vmem_shared>>
      tpu.enqueue_dma source(%arg9 : memref<128x128xf32, #tpu.memory_space<vmem>>) target(%dma_start3A_64 : memref<128x128xf32, #tpu.memory_space<vmem_shared>>) target_semaphore(%run_scoped3A : memref<!tpu.dma_semaphore, #tpu.memory_space<semaphore_mem>>)
      %dma_wait3A = arith.constant 0 : i32
      %dma_wait3A_65 = tpu.memref_slice %arg6[%add3A_12, %dma_wait3A] : memref<10240x128xf32, #tpu.memory_space<vmem_shared>> -> memref<128x128xf32, #tpu.memory_space<vmem_shared>>
      %dma_wait3A_66 = arith.constant 0 : i32
      %dma_wait3A_67 = tpu.memref_slice %arg6[%add3A_12, %dma_wait3A_66] : memref<10240x128xf32, #tpu.memory_space<vmem_shared>> -> memref<128x128xf32, #tpu.memory_space<vmem_shared>>
      tpu.wait_dma2 semaphore(%run_scoped3A : memref<!tpu.dma_semaphore, #tpu.memory_space<semaphore_mem>>) src(%arg9 : memref<128x128xf32, #tpu.memory_space<vmem>>) dst(%dma_wait3A_67 : memref<128x128xf32, #tpu.memory_space<vmem_shared>>)
      tpu.yield
    }) : () -> ()
    %add3A_13 = arith.constant 256 : i32
    %add3A_14 = arith.addi %mul3A_8, %add3A_13 : i32
    "tpu.region"() ({
      %run_scoped3A = tpu.sem_alloc : memref<!tpu.dma_semaphore, #tpu.memory_space<semaphore_mem>>
      %dma_start3A = arith.constant 0 : i32
      %dma_start3A_62 = tpu.memref_slice %arg6[%add3A_14, %dma_start3A] : memref<10240x128xf32, #tpu.memory_space<vmem_shared>> -> memref<128x128xf32, #tpu.memory_space<vmem_shared>>
      %dma_start3A_63 = arith.constant 0 : i32
      %dma_start3A_64 = tpu.memref_slice %arg6[%add3A_14, %dma_start3A_63] : memref<10240x128xf32, #tpu.memory_space<vmem_shared>> -> memref<128x128xf32, #tpu.memory_space<vmem_shared>>
      tpu.enqueue_dma source(%arg9 : memref<128x128xf32, #tpu.memory_space<vmem>>) target(%dma_start3A_64 : memref<128x128xf32, #tpu.memory_space<vmem_shared>>) target_semaphore(%run_scoped3A : memref<!tpu.dma_semaphore, #tpu.memory_space<semaphore_mem>>)
      %dma_wait3A = arith.constant 0 : i32
      %dma_wait3A_65 = tpu.memref_slice %arg6[%add3A_14, %dma_wait3A] : memref<10240x128xf32, #tpu.memory_space<vmem_shared>> -> memref<128x128xf32, #tpu.memory_space<vmem_shared>>
      %dma_wait3A_66 = arith.constant 0 : i32
      %dma_wait3A_67 = tpu.memref_slice %arg6[%add3A_14, %dma_wait3A_66] : memref<10240x128xf32, #tpu.memory_space<vmem_shared>> -> memref<128x128xf32, #tpu.memory_space<vmem_shared>>
      tpu.wait_dma2 semaphore(%run_scoped3A : memref<!tpu.dma_semaphore, #tpu.memory_space<semaphore_mem>>) src(%arg9 : memref<128x128xf32, #tpu.memory_space<vmem>>) dst(%dma_wait3A_67 : memref<128x128xf32, #tpu.memory_space<vmem_shared>>)
      tpu.yield
    }) : () -> ()
    %add3A_15 = arith.constant 384 : i32
    %add3A_16 = arith.addi %mul3A_8, %add3A_15 : i32
    "tpu.region"() ({
      %run_scoped3A = tpu.sem_alloc : memref<!tpu.dma_semaphore, #tpu.memory_space<semaphore_mem>>
      %dma_start3A = arith.constant 0 : i32
      %dma_start3A_62 = tpu.memref_slice %arg6[%add3A_16, %dma_start3A] : memref<10240x128xf32, #tpu.memory_space<vmem_shared>> -> memref<128x128xf32, #tpu.memory_space<vmem_shared>>
      %dma_start3A_63 = arith.constant 0 : i32
      %dma_start3A_64 = tpu.memref_slice %arg6[%add3A_16, %dma_start3A_63] : memref<10240x128xf32, #tpu.memory_space<vmem_shared>> -> memref<128x128xf32, #tpu.memory_space<vmem_shared>>
      tpu.enqueue_dma source(%arg9 : memref<128x128xf32, #tpu.memory_space<vmem>>) target(%dma_start3A_64 : memref<128x128xf32, #tpu.memory_space<vmem_shared>>) target_semaphore(%run_scoped3A : memref<!tpu.dma_semaphore, #tpu.memory_space<semaphore_mem>>)
      %dma_wait3A = arith.constant 0 : i32
      %dma_wait3A_65 = tpu.memref_slice %arg6[%add3A_16, %dma_wait3A] : memref<10240x128xf32, #tpu.memory_space<vmem_shared>> -> memref<128x128xf32, #tpu.memory_space<vmem_shared>>
      %dma_wait3A_66 = arith.constant 0 : i32
      %dma_wait3A_67 = tpu.memref_slice %arg6[%add3A_16, %dma_wait3A_66] : memref<10240x128xf32, #tpu.memory_space<vmem_shared>> -> memref<128x128xf32, #tpu.memory_space<vmem_shared>>
      tpu.wait_dma2 semaphore(%run_scoped3A : memref<!tpu.dma_semaphore, #tpu.memory_space<semaphore_mem>>) src(%arg9 : memref<128x128xf32, #tpu.memory_space<vmem>>) dst(%dma_wait3A_67 : memref<128x128xf32, #tpu.memory_space<vmem_shared>>)
      tpu.yield
    }) : () -> ()
    %add3A_17 = arith.constant 512 : i32
    %add3A_18 = arith.addi %mul3A_8, %add3A_17 : i32
    "tpu.region"() ({
      %run_scoped3A = tpu.sem_alloc : memref<!tpu.dma_semaphore, #tpu.memory_space<semaphore_mem>>
      %dma_start3A = arith.constant 0 : i32
      %dma_start3A_62 = tpu.memref_slice %arg6[%add3A_18, %dma_start3A] : memref<10240x128xf32, #tpu.memory_space<vmem_shared>> -> memref<128x128xf32, #tpu.memory_space<vmem_shared>>
      %dma_start3A_63 = arith.constant 0 : i32
      %dma_start3A_64 = tpu.memref_slice %arg6[%add3A_18, %dma_start3A_63] : memref<10240x128xf32, #tpu.memory_space<vmem_shared>> -> memref<128x128xf32, #tpu.memory_space<vmem_shared>>
      tpu.enqueue_dma source(%arg9 : memref<128x128xf32, #tpu.memory_space<vmem>>) target(%dma_start3A_64 : memref<128x128xf32, #tpu.memory_space<vmem_shared>>) target_semaphore(%run_scoped3A : memref<!tpu.dma_semaphore, #tpu.memory_space<semaphore_mem>>)
      %dma_wait3A = arith.constant 0 : i32
      %dma_wait3A_65 = tpu.memref_slice %arg6[%add3A_18, %dma_wait3A] : memref<10240x128xf32, #tpu.memory_space<vmem_shared>> -> memref<128x128xf32, #tpu.memory_space<vmem_shared>>
      %dma_wait3A_66 = arith.constant 0 : i32
      %dma_wait3A_67 = tpu.memref_slice %arg6[%add3A_18, %dma_wait3A_66] : memref<10240x128xf32, #tpu.memory_space<vmem_shared>> -> memref<128x128xf32, #tpu.memory_space<vmem_shared>>
      tpu.wait_dma2 semaphore(%run_scoped3A : memref<!tpu.dma_semaphore, #tpu.memory_space<semaphore_mem>>) src(%arg9 : memref<128x128xf32, #tpu.memory_space<vmem>>) dst(%dma_wait3A_67 : memref<128x128xf32, #tpu.memory_space<vmem_shared>>)
      tpu.yield
    }) : () -> ()
    %barrier3A = arith.constant 0 : index
    tpu.barrier barrier_id(%barrier3A)
    %scan3A_19 = arith.constant 0 : i32
    %scan3A_20 = arith.constant 0 : i32
    %scan3A_21 = arith.constant 80 : i32
    %scan3A_22 = arith.addi %scan3A_20, %scan3A_21 : i32
    %scan3A_23 = arith.constant 1 : i32
    %scan3A_24 = scf.for %scan3A_62 = %scan3A_20 to %scan3A_22 step %scan3A_23 iter_args(%scan3A_63 = %scan3A_19) -> (i32)  : i32 {
      %dma_start3A = arith.constant 0 : i32
      %dma_start3A_64 = tpu.memref_slice %arg7[%scan3A_62, %dma_start3A] : memref<80x128xi32, #tpu.memory_space<vmem>> -> memref<1x128xi32, #tpu.memory_space<vmem>>
      %dma_start3A_65 = tpu.memref_squeeze %dma_start3A_64 : memref<1x128xi32, #tpu.memory_space<vmem>> -> memref<128xi32, #tpu.memory_space<vmem>>
      %dma_start3A_66 = arith.constant 0 : i32
      %dma_start3A_67 = arith.constant 0 : i32
      %dma_start3A_68 = tpu.memref_slice %arg2[%dma_start3A_66, %dma_start3A_67] : memref<10240x128xf32, #tpu.memory_space<hbm>> -> memref<10240x128xf32, #tpu.memory_space<hbm>>
      tpu.enqueue_indirect_dma source(%dma_start3A_68 : memref<10240x128xf32, #tpu.memory_space<hbm>>) target(%arg9 : memref<128x128xf32, #tpu.memory_space<vmem>>) offsets(%dma_start3A_65 : memref<128xi32, #tpu.memory_space<vmem>>) semaphore(%arg10 : memref<!tpu.dma_semaphore, #tpu.memory_space<semaphore_mem>>)
      %dma_wait3A = arith.constant 0 : i32
      %dma_wait3A_69 = tpu.memref_slice %arg7[%scan3A_62, %dma_wait3A] : memref<80x128xi32, #tpu.memory_space<vmem>> -> memref<1x128xi32, #tpu.memory_space<vmem>>
      %dma_wait3A_70 = tpu.memref_squeeze %dma_wait3A_69 : memref<1x128xi32, #tpu.memory_space<vmem>> -> memref<128xi32, #tpu.memory_space<vmem>>
      %dma_wait3A_71 = arith.constant 0 : i32
      %dma_wait3A_72 = arith.constant 0 : i32
      %dma_wait3A_73 = tpu.memref_slice %arg2[%dma_wait3A_71, %dma_wait3A_72] : memref<10240x128xf32, #tpu.memory_space<hbm>> -> memref<10240x128xf32, #tpu.memory_space<hbm>>
      tpu.wait_indirect_dma semaphore(%arg10 : memref<!tpu.dma_semaphore, #tpu.memory_space<semaphore_mem>>) src(%dma_wait3A_73 : memref<10240x128xf32, #tpu.memory_space<hbm>>) dst(%arg9 : memref<128x128xf32, #tpu.memory_space<vmem>>)
      "tpu.region"() ({
        %run_scoped3A = tpu.sem_alloc : memref<!tpu.dma_semaphore, #tpu.memory_space<semaphore_mem>>
        %dma_start3A_75 = arith.constant 0 : i32
        %dma_start3A_76 = tpu.memref_slice %arg8[%scan3A_62, %dma_start3A_75] : memref<80x128xi32, #tpu.memory_space<vmem>> -> memref<1x128xi32, #tpu.memory_space<vmem>>
        %dma_start3A_77 = tpu.memref_squeeze %dma_start3A_76 : memref<1x128xi32, #tpu.memory_space<vmem>> -> memref<128xi32, #tpu.memory_space<vmem>>
        %dma_start3A_78 = arith.constant 0 : i32
        %dma_start3A_79 = arith.constant 0 : i32
        %dma_start3A_80 = tpu.memref_slice %arg6[%dma_start3A_78, %dma_start3A_79] : memref<10240x128xf32, #tpu.memory_space<vmem_shared>> -> memref<10240x128xf32, #tpu.memory_space<vmem_shared>>
        tpu.enqueue_indirect_dma source(%arg9 : memref<128x128xf32, #tpu.memory_space<vmem>>) target(%dma_start3A_80 : memref<10240x128xf32, #tpu.memory_space<vmem_shared>>) offsets(%dma_start3A_77 : memref<128xi32, #tpu.memory_space<vmem>>) semaphore(%run_scoped3A : memref<!tpu.dma_semaphore, #tpu.memory_space<semaphore_mem>>) {add = true}
        %dma_wait3A_81 = arith.constant 0 : i32
        %dma_wait3A_82 = tpu.memref_slice %arg8[%scan3A_62, %dma_wait3A_81] : memref<80x128xi32, #tpu.memory_space<vmem>> -> memref<1x128xi32, #tpu.memory_space<vmem>>
        %dma_wait3A_83 = tpu.memref_squeeze %dma_wait3A_82 : memref<1x128xi32, #tpu.memory_space<vmem>> -> memref<128xi32, #tpu.memory_space<vmem>>
        %dma_wait3A_84 = arith.constant 0 : i32
        %dma_wait3A_85 = arith.constant 0 : i32
        %dma_wait3A_86 = tpu.memref_slice %arg6[%dma_wait3A_84, %dma_wait3A_85] : memref<10240x128xf32, #tpu.memory_space<vmem_shared>> -> memref<10240x128xf32, #tpu.memory_space<vmem_shared>>
        tpu.wait_indirect_dma semaphore(%run_scoped3A : memref<!tpu.dma_semaphore, #tpu.memory_space<semaphore_mem>>) src(%arg9 : memref<128x128xf32, #tpu.memory_space<vmem>>) dst(%dma_wait3A_86 : memref<10240x128xf32, #tpu.memory_space<vmem_shared>>)
        tpu.yield
      }) : () -> ()
      %scan3A_74 = arith.constant 0 : i32
      scf.yield %scan3A_74 : i32
    }
    %scan3A_25 = arith.constant 80 : i32
    %barrier3A_26 = arith.constant 0 : index
    tpu.barrier barrier_id(%barrier3A_26)
    %add3A_27 = arith.constant 0 : i32
    %add3A_28 = arith.addi %mul3A_8, %add3A_27 : i32
    "tpu.region"() ({
      %run_scoped3A = tpu.sem_alloc : memref<!tpu.dma_semaphore, #tpu.memory_space<semaphore_mem>>
      %dma_start3A = arith.constant 0 : i32
      %dma_start3A_62 = tpu.memref_slice %arg6[%add3A_28, %dma_start3A] : memref<10240x128xf32, #tpu.memory_space<vmem_shared>> -> memref<128x128xf32, #tpu.memory_space<vmem_shared>>
      %dma_start3A_63 = arith.constant 0 : i32
      %dma_start3A_64 = tpu.memref_slice %arg6[%add3A_28, %dma_start3A_63] : memref<10240x128xf32, #tpu.memory_space<vmem_shared>> -> memref<128x128xf32, #tpu.memory_space<vmem_shared>>
      tpu.enqueue_dma source(%dma_start3A_64 : memref<128x128xf32, #tpu.memory_space<vmem_shared>>) target(%arg9 : memref<128x128xf32, #tpu.memory_space<vmem>>) target_semaphore(%run_scoped3A : memref<!tpu.dma_semaphore, #tpu.memory_space<semaphore_mem>>)
      %dma_wait3A = arith.constant 0 : i32
      %dma_wait3A_65 = tpu.memref_slice %arg6[%add3A_28, %dma_wait3A] : memref<10240x128xf32, #tpu.memory_space<vmem_shared>> -> memref<128x128xf32, #tpu.memory_space<vmem_shared>>
      %dma_wait3A_66 = arith.constant 0 : i32
      %dma_wait3A_67 = tpu.memref_slice %arg6[%add3A_28, %dma_wait3A_66] : memref<10240x128xf32, #tpu.memory_space<vmem_shared>> -> memref<128x128xf32, #tpu.memory_space<vmem_shared>>
      tpu.wait_dma2 semaphore(%run_scoped3A : memref<!tpu.dma_semaphore, #tpu.memory_space<semaphore_mem>>) src(%dma_wait3A_67 : memref<128x128xf32, #tpu.memory_space<vmem_shared>>) dst(%arg9 : memref<128x128xf32, #tpu.memory_space<vmem>>)
      tpu.yield
    }) : () -> ()
    %mul3A_29 = arith.constant 10240 : i32
    %mul3A_30 = arith.muli %arg0, %mul3A_29 : i32
    %add3A_31 = arith.addi %mul3A_30, %mul3A_8 : i32
    %add3A_32 = arith.constant 0 : i32
    %add3A_33 = arith.addi %add3A_31, %add3A_32 : i32
    "tpu.region"() ({
      %run_scoped3A = tpu.sem_alloc : memref<!tpu.dma_semaphore, #tpu.memory_space<semaphore_mem>>
      %dma_start3A = arith.constant 0 : i32
      %dma_start3A_62 = tpu.memref_slice %arg5[%add3A_33, %dma_start3A] : memref<20480x128xf32, #tpu.memory_space<hbm>> -> memref<128x128xf32, #tpu.memory_space<hbm>>
      %dma_start3A_63 = arith.constant 0 : i32
      %dma_start3A_64 = tpu.memref_slice %arg5[%add3A_33, %dma_start3A_63] : memref<20480x128xf32, #tpu.memory_space<hbm>> -> memref<128x128xf32, #tpu.memory_space<hbm>>
      tpu.enqueue_dma source(%arg9 : memref<128x128xf32, #tpu.memory_space<vmem>>) target(%dma_start3A_64 : memref<128x128xf32, #tpu.memory_space<hbm>>) target_semaphore(%run_scoped3A : memref<!tpu.dma_semaphore, #tpu.memory_space<semaphore_mem>>)
      %dma_wait3A = arith.constant 0 : i32
      %dma_wait3A_65 = tpu.memref_slice %arg5[%add3A_33, %dma_wait3A] : memref<20480x128xf32, #tpu.memory_space<hbm>> -> memref<128x128xf32, #tpu.memory_space<hbm>>
      %dma_wait3A_66 = arith.constant 0 : i32
      %dma_wait3A_67 = tpu.memref_slice %arg5[%add3A_33, %dma_wait3A_66] : memref<20480x128xf32, #tpu.memory_space<hbm>> -> memref<128x128xf32, #tpu.memory_space<hbm>>
      tpu.wait_dma2 semaphore(%run_scoped3A : memref<!tpu.dma_semaphore, #tpu.memory_space<semaphore_mem>>) src(%arg9 : memref<128x128xf32, #tpu.memory_space<vmem>>) dst(%dma_wait3A_67 : memref<128x128xf32, #tpu.memory_space<hbm>>)
      tpu.yield
    }) : () -> ()
    %add3A_34 = arith.constant 128 : i32
    %add3A_35 = arith.addi %mul3A_8, %add3A_34 : i32
    "tpu.region"() ({
      %run_scoped3A = tpu.sem_alloc : memref<!tpu.dma_semaphore, #tpu.memory_space<semaphore_mem>>
      %dma_start3A = arith.constant 0 : i32
      %dma_start3A_62 = tpu.memref_slice %arg6[%add3A_35, %dma_start3A] : memref<10240x128xf32, #tpu.memory_space<vmem_shared>> -> memref<128x128xf32, #tpu.memory_space<vmem_shared>>
      %dma_start3A_63 = arith.constant 0 : i32
      %dma_start3A_64 = tpu.memref_slice %arg6[%add3A_35, %dma_start3A_63] : memref<10240x128xf32, #tpu.memory_space<vmem_shared>> -> memref<128x128xf32, #tpu.memory_space<vmem_shared>>
      tpu.enqueue_dma source(%dma_start3A_64 : memref<128x128xf32, #tpu.memory_space<vmem_shared>>) target(%arg9 : memref<128x128xf32, #tpu.memory_space<vmem>>) target_semaphore(%run_scoped3A : memref<!tpu.dma_semaphore, #tpu.memory_space<semaphore_mem>>)
      %dma_wait3A = arith.constant 0 : i32
      %dma_wait3A_65 = tpu.memref_slice %arg6[%add3A_35, %dma_wait3A] : memref<10240x128xf32, #tpu.memory_space<vmem_shared>> -> memref<128x128xf32, #tpu.memory_space<vmem_shared>>
      %dma_wait3A_66 = arith.constant 0 : i32
      %dma_wait3A_67 = tpu.memref_slice %arg6[%add3A_35, %dma_wait3A_66] : memref<10240x128xf32, #tpu.memory_space<vmem_shared>> -> memref<128x128xf32, #tpu.memory_space<vmem_shared>>
      tpu.wait_dma2 semaphore(%run_scoped3A : memref<!tpu.dma_semaphore, #tpu.memory_space<semaphore_mem>>) src(%dma_wait3A_67 : memref<128x128xf32, #tpu.memory_space<vmem_shared>>) dst(%arg9 : memref<128x128xf32, #tpu.memory_space<vmem>>)
      tpu.yield
    }) : () -> ()
    %mul3A_36 = arith.constant 10240 : i32
    %mul3A_37 = arith.muli %arg0, %mul3A_36 : i32
    %add3A_38 = arith.addi %mul3A_37, %mul3A_8 : i32
    %add3A_39 = arith.constant 128 : i32
    %add3A_40 = arith.addi %add3A_38, %add3A_39 : i32
    "tpu.region"() ({
      %run_scoped3A = tpu.sem_alloc : memref<!tpu.dma_semaphore, #tpu.memory_space<semaphore_mem>>
      %dma_start3A = arith.constant 0 : i32
      %dma_start3A_62 = tpu.memref_slice %arg5[%add3A_40, %dma_start3A] : memref<20480x128xf32, #tpu.memory_space<hbm>> -> memref<128x128xf32, #tpu.memory_space<hbm>>
      %dma_start3A_63 = arith.constant 0 : i32
      %dma_start3A_64 = tpu.memref_slice %arg5[%add3A_40, %dma_start3A_63] : memref<20480x128xf32, #tpu.memory_space<hbm>> -> memref<128x128xf32, #tpu.memory_space<hbm>>
      tpu.enqueue_dma source(%arg9 : memref<128x128xf32, #tpu.memory_space<vmem>>) target(%dma_start3A_64 : memref<128x128xf32, #tpu.memory_space<hbm>>) target_semaphore(%run_scoped3A : memref<!tpu.dma_semaphore, #tpu.memory_space<semaphore_mem>>)
      %dma_wait3A = arith.constant 0 : i32
      %dma_wait3A_65 = tpu.memref_slice %arg5[%add3A_40, %dma_wait3A] : memref<20480x128xf32, #tpu.memory_space<hbm>> -> memref<128x128xf32, #tpu.memory_space<hbm>>
      %dma_wait3A_66 = arith.constant 0 : i32
      %dma_wait3A_67 = tpu.memref_slice %arg5[%add3A_40, %dma_wait3A_66] : memref<20480x128xf32, #tpu.memory_space<hbm>> -> memref<128x128xf32, #tpu.memory_space<hbm>>
      tpu.wait_dma2 semaphore(%run_scoped3A : memref<!tpu.dma_semaphore, #tpu.memory_space<semaphore_mem>>) src(%arg9 : memref<128x128xf32, #tpu.memory_space<vmem>>) dst(%dma_wait3A_67 : memref<128x128xf32, #tpu.memory_space<hbm>>)
      tpu.yield
    }) : () -> ()
    %add3A_41 = arith.constant 256 : i32
    %add3A_42 = arith.addi %mul3A_8, %add3A_41 : i32
    "tpu.region"() ({
      %run_scoped3A = tpu.sem_alloc : memref<!tpu.dma_semaphore, #tpu.memory_space<semaphore_mem>>
      %dma_start3A = arith.constant 0 : i32
      %dma_start3A_62 = tpu.memref_slice %arg6[%add3A_42, %dma_start3A] : memref<10240x128xf32, #tpu.memory_space<vmem_shared>> -> memref<128x128xf32, #tpu.memory_space<vmem_shared>>
      %dma_start3A_63 = arith.constant 0 : i32
      %dma_start3A_64 = tpu.memref_slice %arg6[%add3A_42, %dma_start3A_63] : memref<10240x128xf32, #tpu.memory_space<vmem_shared>> -> memref<128x128xf32, #tpu.memory_space<vmem_shared>>
      tpu.enqueue_dma source(%dma_start3A_64 : memref<128x128xf32, #tpu.memory_space<vmem_shared>>) target(%arg9 : memref<128x128xf32, #tpu.memory_space<vmem>>) target_semaphore(%run_scoped3A : memref<!tpu.dma_semaphore, #tpu.memory_space<semaphore_mem>>)
      %dma_wait3A = arith.constant 0 : i32
      %dma_wait3A_65 = tpu.memref_slice %arg6[%add3A_42, %dma_wait3A] : memref<10240x128xf32, #tpu.memory_space<vmem_shared>> -> memref<128x128xf32, #tpu.memory_space<vmem_shared>>
      %dma_wait3A_66 = arith.constant 0 : i32
      %dma_wait3A_67 = tpu.memref_slice %arg6[%add3A_42, %dma_wait3A_66] : memref<10240x128xf32, #tpu.memory_space<vmem_shared>> -> memref<128x128xf32, #tpu.memory_space<vmem_shared>>
      tpu.wait_dma2 semaphore(%run_scoped3A : memref<!tpu.dma_semaphore, #tpu.memory_space<semaphore_mem>>) src(%dma_wait3A_67 : memref<128x128xf32, #tpu.memory_space<vmem_shared>>) dst(%arg9 : memref<128x128xf32, #tpu.memory_space<vmem>>)
      tpu.yield
    }) : () -> ()
    %mul3A_43 = arith.constant 10240 : i32
    %mul3A_44 = arith.muli %arg0, %mul3A_43 : i32
    %add3A_45 = arith.addi %mul3A_44, %mul3A_8 : i32
    %add3A_46 = arith.constant 256 : i32
    %add3A_47 = arith.addi %add3A_45, %add3A_46 : i32
    "tpu.region"() ({
      %run_scoped3A = tpu.sem_alloc : memref<!tpu.dma_semaphore, #tpu.memory_space<semaphore_mem>>
      %dma_start3A = arith.constant 0 : i32
      %dma_start3A_62 = tpu.memref_slice %arg5[%add3A_47, %dma_start3A] : memref<20480x128xf32, #tpu.memory_space<hbm>> -> memref<128x128xf32, #tpu.memory_space<hbm>>
      %dma_start3A_63 = arith.constant 0 : i32
      %dma_start3A_64 = tpu.memref_slice %arg5[%add3A_47, %dma_start3A_63] : memref<20480x128xf32, #tpu.memory_space<hbm>> -> memref<128x128xf32, #tpu.memory_space<hbm>>
      tpu.enqueue_dma source(%arg9 : memref<128x128xf32, #tpu.memory_space<vmem>>) target(%dma_start3A_64 : memref<128x128xf32, #tpu.memory_space<hbm>>) target_semaphore(%run_scoped3A : memref<!tpu.dma_semaphore, #tpu.memory_space<semaphore_mem>>)
      %dma_wait3A = arith.constant 0 : i32
      %dma_wait3A_65 = tpu.memref_slice %arg5[%add3A_47, %dma_wait3A] : memref<20480x128xf32, #tpu.memory_space<hbm>> -> memref<128x128xf32, #tpu.memory_space<hbm>>
      %dma_wait3A_66 = arith.constant 0 : i32
      %dma_wait3A_67 = tpu.memref_slice %arg5[%add3A_47, %dma_wait3A_66] : memref<20480x128xf32, #tpu.memory_space<hbm>> -> memref<128x128xf32, #tpu.memory_space<hbm>>
      tpu.wait_dma2 semaphore(%run_scoped3A : memref<!tpu.dma_semaphore, #tpu.memory_space<semaphore_mem>>) src(%arg9 : memref<128x128xf32, #tpu.memory_space<vmem>>) dst(%dma_wait3A_67 : memref<128x128xf32, #tpu.memory_space<hbm>>)
      tpu.yield
    }) : () -> ()
    %add3A_48 = arith.constant 384 : i32
    %add3A_49 = arith.addi %mul3A_8, %add3A_48 : i32
    "tpu.region"() ({
      %run_scoped3A = tpu.sem_alloc : memref<!tpu.dma_semaphore, #tpu.memory_space<semaphore_mem>>
      %dma_start3A = arith.constant 0 : i32
      %dma_start3A_62 = tpu.memref_slice %arg6[%add3A_49, %dma_start3A] : memref<10240x128xf32, #tpu.memory_space<vmem_shared>> -> memref<128x128xf32, #tpu.memory_space<vmem_shared>>
      %dma_start3A_63 = arith.constant 0 : i32
      %dma_start3A_64 = tpu.memref_slice %arg6[%add3A_49, %dma_start3A_63] : memref<10240x128xf32, #tpu.memory_space<vmem_shared>> -> memref<128x128xf32, #tpu.memory_space<vmem_shared>>
      tpu.enqueue_dma source(%dma_start3A_64 : memref<128x128xf32, #tpu.memory_space<vmem_shared>>) target(%arg9 : memref<128x128xf32, #tpu.memory_space<vmem>>) target_semaphore(%run_scoped3A : memref<!tpu.dma_semaphore, #tpu.memory_space<semaphore_mem>>)
      %dma_wait3A = arith.constant 0 : i32
      %dma_wait3A_65 = tpu.memref_slice %arg6[%add3A_49, %dma_wait3A] : memref<10240x128xf32, #tpu.memory_space<vmem_shared>> -> memref<128x128xf32, #tpu.memory_space<vmem_shared>>
      %dma_wait3A_66 = arith.constant 0 : i32
      %dma_wait3A_67 = tpu.memref_slice %arg6[%add3A_49, %dma_wait3A_66] : memref<10240x128xf32, #tpu.memory_space<vmem_shared>> -> memref<128x128xf32, #tpu.memory_space<vmem_shared>>
      tpu.wait_dma2 semaphore(%run_scoped3A : memref<!tpu.dma_semaphore, #tpu.memory_space<semaphore_mem>>) src(%dma_wait3A_67 : memref<128x128xf32, #tpu.memory_space<vmem_shared>>) dst(%arg9 : memref<128x128xf32, #tpu.memory_space<vmem>>)
      tpu.yield
    }) : () -> ()
    %mul3A_50 = arith.constant 10240 : i32
    %mul3A_51 = arith.muli %arg0, %mul3A_50 : i32
    %add3A_52 = arith.addi %mul3A_51, %mul3A_8 : i32
    %add3A_53 = arith.constant 384 : i32
    %add3A_54 = arith.addi %add3A_52, %add3A_53 : i32
    "tpu.region"() ({
      %run_scoped3A = tpu.sem_alloc : memref<!tpu.dma_semaphore, #tpu.memory_space<semaphore_mem>>
      %dma_start3A = arith.constant 0 : i32
      %dma_start3A_62 = tpu.memref_slice %arg5[%add3A_54, %dma_start3A] : memref<20480x128xf32, #tpu.memory_space<hbm>> -> memref<128x128xf32, #tpu.memory_space<hbm>>
      %dma_start3A_63 = arith.constant 0 : i32
      %dma_start3A_64 = tpu.memref_slice %arg5[%add3A_54, %dma_start3A_63] : memref<20480x128xf32, #tpu.memory_space<hbm>> -> memref<128x128xf32, #tpu.memory_space<hbm>>
      tpu.enqueue_dma source(%arg9 : memref<128x128xf32, #tpu.memory_space<vmem>>) target(%dma_start3A_64 : memref<128x128xf32, #tpu.memory_space<hbm>>) target_semaphore(%run_scoped3A : memref<!tpu.dma_semaphore, #tpu.memory_space<semaphore_mem>>)
      %dma_wait3A = arith.constant 0 : i32
      %dma_wait3A_65 = tpu.memref_slice %arg5[%add3A_54, %dma_wait3A] : memref<20480x128xf32, #tpu.memory_space<hbm>> -> memref<128x128xf32, #tpu.memory_space<hbm>>
      %dma_wait3A_66 = arith.constant 0 : i32
      %dma_wait3A_67 = tpu.memref_slice %arg5[%add3A_54, %dma_wait3A_66] : memref<20480x128xf32, #tpu.memory_space<hbm>> -> memref<128x128xf32, #tpu.memory_space<hbm>>
      tpu.wait_dma2 semaphore(%run_scoped3A : memref<!tpu.dma_semaphore, #tpu.memory_space<semaphore_mem>>) src(%arg9 : memref<128x128xf32, #tpu.memory_space<vmem>>) dst(%dma_wait3A_67 : memref<128x128xf32, #tpu.memory_space<hbm>>)
      tpu.yield
    }) : () -> ()
    %add3A_55 = arith.constant 512 : i32
    %add3A_56 = arith.addi %mul3A_8, %add3A_55 : i32
    "tpu.region"() ({
      %run_scoped3A = tpu.sem_alloc : memref<!tpu.dma_semaphore, #tpu.memory_space<semaphore_mem>>
      %dma_start3A = arith.constant 0 : i32
      %dma_start3A_62 = tpu.memref_slice %arg6[%add3A_56, %dma_start3A] : memref<10240x128xf32, #tpu.memory_space<vmem_shared>> -> memref<128x128xf32, #tpu.memory_space<vmem_shared>>
      %dma_start3A_63 = arith.constant 0 : i32
      %dma_start3A_64 = tpu.memref_slice %arg6[%add3A_56, %dma_start3A_63] : memref<10240x128xf32, #tpu.memory_space<vmem_shared>> -> memref<128x128xf32, #tpu.memory_space<vmem_shared>>
      tpu.enqueue_dma source(%dma_start3A_64 : memref<128x128xf32, #tpu.memory_space<vmem_shared>>) target(%arg9 : memref<128x128xf32, #tpu.memory_space<vmem>>) target_semaphore(%run_scoped3A : memref<!tpu.dma_semaphore, #tpu.memory_space<semaphore_mem>>)
      %dma_wait3A = arith.constant 0 : i32
      %dma_wait3A_65 = tpu.memref_slice %arg6[%add3A_56, %dma_wait3A] : memref<10240x128xf32, #tpu.memory_space<vmem_shared>> -> memref<128x128xf32, #tpu.memory_space<vmem_shared>>
      %dma_wait3A_66 = arith.constant 0 : i32
      %dma_wait3A_67 = tpu.memref_slice %arg6[%add3A_56, %dma_wait3A_66] : memref<10240x128xf32, #tpu.memory_space<vmem_shared>> -> memref<128x128xf32, #tpu.memory_space<vmem_shared>>
      tpu.wait_dma2 semaphore(%run_scoped3A : memref<!tpu.dma_semaphore, #tpu.memory_space<semaphore_mem>>) src(%dma_wait3A_67 : memref<128x128xf32, #tpu.memory_space<vmem_shared>>) dst(%arg9 : memref<128x128xf32, #tpu.memory_space<vmem>>)
      tpu.yield
    }) : () -> ()
    %mul3A_57 = arith.constant 10240 : i32
    %mul3A_58 = arith.muli %arg0, %mul3A_57 : i32
    %add3A_59 = arith.addi %mul3A_58, %mul3A_8 : i32
    %add3A_60 = arith.constant 512 : i32
    %add3A_61 = arith.addi %add3A_59, %add3A_60 : i32
    "tpu.region"() ({
      %run_scoped3A = tpu.sem_alloc : memref<!tpu.dma_semaphore, #tpu.memory_space<semaphore_mem>>
      %dma_start3A = arith.constant 0 : i32
      %dma_start3A_62 = tpu.memref_slice %arg5[%add3A_61, %dma_start3A] : memref<20480x128xf32, #tpu.memory_space<hbm>> -> memref<128x128xf32, #tpu.memory_space<hbm>>
      %dma_start3A_63 = arith.constant 0 : i32
      %dma_start3A_64 = tpu.memref_slice %arg5[%add3A_61, %dma_start3A_63] : memref<20480x128xf32, #tpu.memory_space<hbm>> -> memref<128x128xf32, #tpu.memory_space<hbm>>
      tpu.enqueue_dma source(%arg9 : memref<128x128xf32, #tpu.memory_space<vmem>>) target(%dma_start3A_64 : memref<128x128xf32, #tpu.memory_space<hbm>>) target_semaphore(%run_scoped3A : memref<!tpu.dma_semaphore, #tpu.memory_space<semaphore_mem>>)
      %dma_wait3A = arith.constant 0 : i32
      %dma_wait3A_65 = tpu.memref_slice %arg5[%add3A_61, %dma_wait3A] : memref<20480x128xf32, #tpu.memory_space<hbm>> -> memref<128x128xf32, #tpu.memory_space<hbm>>
      %dma_wait3A_66 = arith.constant 0 : i32
      %dma_wait3A_67 = tpu.memref_slice %arg5[%add3A_61, %dma_wait3A_66] : memref<20480x128xf32, #tpu.memory_space<hbm>> -> memref<128x128xf32, #tpu.memory_space<hbm>>
      tpu.wait_dma2 semaphore(%run_scoped3A : memref<!tpu.dma_semaphore, #tpu.memory_space<semaphore_mem>>) src(%arg9 : memref<128x128xf32, #tpu.memory_space<vmem>>) dst(%dma_wait3A_67 : memref<128x128xf32, #tpu.memory_space<hbm>>)
      tpu.yield
    }) : () -> ()
    return
  }
}

#map = affine_map<(d0, d1) -> (0, 0, 0)>
#map1 = affine_map<(d0, d1) -> (0, 0)>
module attributes {stable_mosaic.version = 14 : i64} {
  func.func @deg_kernel(%arg0: i32, %arg1: i32, %arg2: memref<32x80x128xi32, #tpu.memory_space<hbm>>, %arg3: memref<20480x128xf32, #tpu.memory_space<hbm>>, %arg4: memref<10240x128xf32, #tpu.memory_space<vmem_shared>>, %arg5: memref<80x128xi32, #tpu.memory_space<vmem>>, %arg6: memref<128x128xf32, #tpu.memory_space<vmem>>) attributes {dimension_semantics = [#tpu.dimension_semantics<core_parallel>, #tpu.dimension_semantics<subcore_parallel>], iteration_bounds = array<i64: 2, 16>, scalar_prefetch = 0 : i64, scratch_operands = 3 : i64, tpu.core_type = #tpu.core_type<sc_vector_subcore>, window_params = [{transform_indices = #map}, {transform_indices = #map1}]} {
    %mul3A = arith.constant 2 : i32
    %mul3A_0 = arith.muli %arg1, %mul3A : i32
    %add3A = arith.addi %mul3A_0, %arg0 : i32
    "tpu.region"() ({
      %run_scoped3A = tpu.sem_alloc : memref<!tpu.dma_semaphore, #tpu.memory_space<semaphore_mem>>
      %dma_start3A = arith.constant 0 : i32
      %dma_start3A_69 = arith.constant 0 : i32
      %dma_start3A_70 = tpu.memref_slice %arg2[%add3A, %dma_start3A, %dma_start3A_69] : memref<32x80x128xi32, #tpu.memory_space<hbm>> -> memref<1x80x128xi32, #tpu.memory_space<hbm>>
      %dma_start3A_71 = tpu.memref_squeeze %dma_start3A_70 : memref<1x80x128xi32, #tpu.memory_space<hbm>> -> memref<80x128xi32, #tpu.memory_space<hbm>>
      %dma_start3A_72 = arith.constant 0 : i32
      %dma_start3A_73 = arith.constant 0 : i32
      %dma_start3A_74 = tpu.memref_slice %arg2[%add3A, %dma_start3A_72, %dma_start3A_73] : memref<32x80x128xi32, #tpu.memory_space<hbm>> -> memref<1x80x128xi32, #tpu.memory_space<hbm>>
      %dma_start3A_75 = tpu.memref_squeeze %dma_start3A_74 : memref<1x80x128xi32, #tpu.memory_space<hbm>> -> memref<80x128xi32, #tpu.memory_space<hbm>>
      tpu.enqueue_dma source(%dma_start3A_75 : memref<80x128xi32, #tpu.memory_space<hbm>>) target(%arg5 : memref<80x128xi32, #tpu.memory_space<vmem>>) target_semaphore(%run_scoped3A : memref<!tpu.dma_semaphore, #tpu.memory_space<semaphore_mem>>)
      %dma_wait3A = arith.constant 0 : i32
      %dma_wait3A_76 = arith.constant 0 : i32
      %dma_wait3A_77 = tpu.memref_slice %arg2[%add3A, %dma_wait3A, %dma_wait3A_76] : memref<32x80x128xi32, #tpu.memory_space<hbm>> -> memref<1x80x128xi32, #tpu.memory_space<hbm>>
      %dma_wait3A_78 = tpu.memref_squeeze %dma_wait3A_77 : memref<1x80x128xi32, #tpu.memory_space<hbm>> -> memref<80x128xi32, #tpu.memory_space<hbm>>
      %dma_wait3A_79 = arith.constant 0 : i32
      %dma_wait3A_80 = arith.constant 0 : i32
      %dma_wait3A_81 = tpu.memref_slice %arg2[%add3A, %dma_wait3A_79, %dma_wait3A_80] : memref<32x80x128xi32, #tpu.memory_space<hbm>> -> memref<1x80x128xi32, #tpu.memory_space<hbm>>
      %dma_wait3A_82 = tpu.memref_squeeze %dma_wait3A_81 : memref<1x80x128xi32, #tpu.memory_space<hbm>> -> memref<80x128xi32, #tpu.memory_space<hbm>>
      tpu.wait_dma2 semaphore(%run_scoped3A : memref<!tpu.dma_semaphore, #tpu.memory_space<semaphore_mem>>) src(%dma_wait3A_82 : memref<80x128xi32, #tpu.memory_space<hbm>>) dst(%arg5 : memref<80x128xi32, #tpu.memory_space<vmem>>)
      tpu.yield
    }) : () -> ()
    %scan3A = arith.constant 0 : i32
    %scan3A_1 = arith.constant 0 : i32
    %scan3A_2 = arith.constant 1024 : i32
    %scan3A_3 = arith.addi %scan3A_1, %scan3A_2 : i32
    %scan3A_4 = arith.constant 1 : i32
    %scan3A_5 = scf.for %scan3A_69 = %scan3A_1 to %scan3A_3 step %scan3A_4 iter_args(%scan3A_70 = %scan3A) -> (i32)  : i32 {
      %jit3A = arith.constant 8 : i32
      %div3A = arith.divsi %scan3A_69, %jit3A : i32
      %sign3A = arith.constant 0 : i32
      %sign3A_71 = arith.cmpi sgt, %scan3A_69, %sign3A : i32
      %sign3A_72 = arith.extui %sign3A_71 : i1 to i32
      %sign3A_73 = arith.constant 0 : i32
      %sign3A_74 = arith.cmpi slt, %scan3A_69, %sign3A_73 : i32
      %sign3A_75 = arith.extui %sign3A_74 : i1 to i32
      %sign3A_76 = arith.subi %sign3A_72, %sign3A_75 : i32
      %sign3A_77 = arith.constant 0 : i32
      %sign3A_78 = arith.cmpi sgt, %jit3A, %sign3A_77 : i32
      %sign3A_79 = arith.extui %sign3A_78 : i1 to i32
      %sign3A_80 = arith.constant 0 : i32
      %sign3A_81 = arith.cmpi slt, %jit3A, %sign3A_80 : i32
      %sign3A_82 = arith.extui %sign3A_81 : i1 to i32
      %sign3A_83 = arith.subi %sign3A_79, %sign3A_82 : i32
      %ne3A = arith.cmpi ne, %sign3A_76, %sign3A_83 : i32
      %rem3A = arith.remsi %scan3A_69, %jit3A : i32
      %ne3A_84 = arith.constant 0 : i32
      %ne3A_85 = arith.cmpi ne, %rem3A, %ne3A_84 : i32
      %and3A = arith.andi %ne3A, %ne3A_85 : i1
      %sub3A = arith.constant 1 : i32
      %sub3A_86 = arith.subi %div3A, %sub3A : i32
      %select_n3A = arith.select %and3A, %sub3A_86, %div3A : i32
      %jit3A_87 = arith.constant 8 : i32
      %eq3A = arith.constant 0 : i32
      %eq3A_88 = arith.cmpi eq, %jit3A_87, %eq3A : i32
      %jit3A_89 = arith.constant 1 : i32
      %select_n3A_90 = arith.select %eq3A_88, %jit3A_89, %jit3A_87 : i32
      %rem3A_91 = arith.remsi %scan3A_69, %select_n3A_90 : i32
      %ne3A_92 = arith.constant 0 : i32
      %ne3A_93 = arith.cmpi ne, %rem3A_91, %ne3A_92 : i32
      %lt3A = arith.constant 0 : i32
      %lt3A_94 = arith.cmpi slt, %rem3A_91, %lt3A : i32
      %lt3A_95 = arith.constant 0 : i32
      %lt3A_96 = arith.cmpi slt, %select_n3A_90, %lt3A_95 : i32
      %ne3A_97 = arith.xori %lt3A_94, %lt3A_96 : i1
      %and3A_98 = arith.andi %ne3A_97, %ne3A_93 : i1
      %add3A_99 = arith.addi %rem3A_91, %select_n3A_90 : i32
      %select_n3A_100 = arith.select %and3A_98, %add3A_99, %rem3A_91 : i32
      %mul3A_101 = arith.constant 16 : i32
      %mul3A_102 = arith.muli %select_n3A_100, %mul3A_101 : i32
      %broadcast_in_dim3A = arith.constant 0.000000e+00 : f32
      %broadcast_in_dim3A_103 = vector.broadcast %broadcast_in_dim3A : f32 to vector<16xf32>
      %swap3A = arith.index_cast %select_n3A : i32 to index
      %swap3A_104 = arith.index_cast %mul3A_102 : i32 to index
      %swap3A_105 = tpu.vector_load %arg6[%swap3A, %swap3A_104] {strides = array<i32>} : memref<128x128xf32, #tpu.memory_space<vmem>>, vector<1x16xf32>,
      %swap3A_106 = vector.shape_cast %swap3A_105 : vector<1x16xf32> to vector<16xf32>
      %swap3A_107 = vector.shape_cast %broadcast_in_dim3A_103 : vector<16xf32> to vector<1x16xf32>
      tpu.vector_store %arg6[%swap3A, %swap3A_104], %swap3A_107 {strides = array<i32>} : memref<128x128xf32, #tpu.memory_space<vmem>>, vector<1x16xf32>,
      %scan3A_108 = arith.constant 0 : i32
      scf.yield %scan3A_108 : i32
    }
    %scan3A_6 = arith.constant 1024 : i32
    %mul3A_7 = arith.constant 640 : i32
    %mul3A_8 = arith.muli %arg1, %mul3A_7 : i32
    %add3A_9 = arith.constant 0 : i32
    %add3A_10 = arith.addi %mul3A_8, %add3A_9 : i32
    "tpu.region"() ({
      %run_scoped3A = tpu.sem_alloc : memref<!tpu.dma_semaphore, #tpu.memory_space<semaphore_mem>>
      %dma_start3A = arith.constant 0 : i32
      %dma_start3A_69 = tpu.memref_slice %arg4[%add3A_10, %dma_start3A] : memref<10240x128xf32, #tpu.memory_space<vmem_shared>> -> memref<128x128xf32, #tpu.memory_space<vmem_shared>>
      %dma_start3A_70 = arith.constant 0 : i32
      %dma_start3A_71 = tpu.memref_slice %arg4[%add3A_10, %dma_start3A_70] : memref<10240x128xf32, #tpu.memory_space<vmem_shared>> -> memref<128x128xf32, #tpu.memory_space<vmem_shared>>
      tpu.enqueue_dma source(%arg6 : memref<128x128xf32, #tpu.memory_space<vmem>>) target(%dma_start3A_71 : memref<128x128xf32, #tpu.memory_space<vmem_shared>>) target_semaphore(%run_scoped3A : memref<!tpu.dma_semaphore, #tpu.memory_space<semaphore_mem>>)
      %dma_wait3A = arith.constant 0 : i32
      %dma_wait3A_72 = tpu.memref_slice %arg4[%add3A_10, %dma_wait3A] : memref<10240x128xf32, #tpu.memory_space<vmem_shared>> -> memref<128x128xf32, #tpu.memory_space<vmem_shared>>
      %dma_wait3A_73 = arith.constant 0 : i32
      %dma_wait3A_74 = tpu.memref_slice %arg4[%add3A_10, %dma_wait3A_73] : memref<10240x128xf32, #tpu.memory_space<vmem_shared>> -> memref<128x128xf32, #tpu.memory_space<vmem_shared>>
      tpu.wait_dma2 semaphore(%run_scoped3A : memref<!tpu.dma_semaphore, #tpu.memory_space<semaphore_mem>>) src(%arg6 : memref<128x128xf32, #tpu.memory_space<vmem>>) dst(%dma_wait3A_74 : memref<128x128xf32, #tpu.memory_space<vmem_shared>>)
      tpu.yield
    }) : () -> ()
    %add3A_11 = arith.constant 128 : i32
    %add3A_12 = arith.addi %mul3A_8, %add3A_11 : i32
    "tpu.region"() ({
      %run_scoped3A = tpu.sem_alloc : memref<!tpu.dma_semaphore, #tpu.memory_space<semaphore_mem>>
      %dma_start3A = arith.constant 0 : i32
      %dma_start3A_69 = tpu.memref_slice %arg4[%add3A_12, %dma_start3A] : memref<10240x128xf32, #tpu.memory_space<vmem_shared>> -> memref<128x128xf32, #tpu.memory_space<vmem_shared>>
      %dma_start3A_70 = arith.constant 0 : i32
      %dma_start3A_71 = tpu.memref_slice %arg4[%add3A_12, %dma_start3A_70] : memref<10240x128xf32, #tpu.memory_space<vmem_shared>> -> memref<128x128xf32, #tpu.memory_space<vmem_shared>>
      tpu.enqueue_dma source(%arg6 : memref<128x128xf32, #tpu.memory_space<vmem>>) target(%dma_start3A_71 : memref<128x128xf32, #tpu.memory_space<vmem_shared>>) target_semaphore(%run_scoped3A : memref<!tpu.dma_semaphore, #tpu.memory_space<semaphore_mem>>)
      %dma_wait3A = arith.constant 0 : i32
      %dma_wait3A_72 = tpu.memref_slice %arg4[%add3A_12, %dma_wait3A] : memref<10240x128xf32, #tpu.memory_space<vmem_shared>> -> memref<128x128xf32, #tpu.memory_space<vmem_shared>>
      %dma_wait3A_73 = arith.constant 0 : i32
      %dma_wait3A_74 = tpu.memref_slice %arg4[%add3A_12, %dma_wait3A_73] : memref<10240x128xf32, #tpu.memory_space<vmem_shared>> -> memref<128x128xf32, #tpu.memory_space<vmem_shared>>
      tpu.wait_dma2 semaphore(%run_scoped3A : memref<!tpu.dma_semaphore, #tpu.memory_space<semaphore_mem>>) src(%arg6 : memref<128x128xf32, #tpu.memory_space<vmem>>) dst(%dma_wait3A_74 : memref<128x128xf32, #tpu.memory_space<vmem_shared>>)
      tpu.yield
    }) : () -> ()
    %add3A_13 = arith.constant 256 : i32
    %add3A_14 = arith.addi %mul3A_8, %add3A_13 : i32
    "tpu.region"() ({
      %run_scoped3A = tpu.sem_alloc : memref<!tpu.dma_semaphore, #tpu.memory_space<semaphore_mem>>
      %dma_start3A = arith.constant 0 : i32
      %dma_start3A_69 = tpu.memref_slice %arg4[%add3A_14, %dma_start3A] : memref<10240x128xf32, #tpu.memory_space<vmem_shared>> -> memref<128x128xf32, #tpu.memory_space<vmem_shared>>
      %dma_start3A_70 = arith.constant 0 : i32
      %dma_start3A_71 = tpu.memref_slice %arg4[%add3A_14, %dma_start3A_70] : memref<10240x128xf32, #tpu.memory_space<vmem_shared>> -> memref<128x128xf32, #tpu.memory_space<vmem_shared>>
      tpu.enqueue_dma source(%arg6 : memref<128x128xf32, #tpu.memory_space<vmem>>) target(%dma_start3A_71 : memref<128x128xf32, #tpu.memory_space<vmem_shared>>) target_semaphore(%run_scoped3A : memref<!tpu.dma_semaphore, #tpu.memory_space<semaphore_mem>>)
      %dma_wait3A = arith.constant 0 : i32
      %dma_wait3A_72 = tpu.memref_slice %arg4[%add3A_14, %dma_wait3A] : memref<10240x128xf32, #tpu.memory_space<vmem_shared>> -> memref<128x128xf32, #tpu.memory_space<vmem_shared>>
      %dma_wait3A_73 = arith.constant 0 : i32
      %dma_wait3A_74 = tpu.memref_slice %arg4[%add3A_14, %dma_wait3A_73] : memref<10240x128xf32, #tpu.memory_space<vmem_shared>> -> memref<128x128xf32, #tpu.memory_space<vmem_shared>>
      tpu.wait_dma2 semaphore(%run_scoped3A : memref<!tpu.dma_semaphore, #tpu.memory_space<semaphore_mem>>) src(%arg6 : memref<128x128xf32, #tpu.memory_space<vmem>>) dst(%dma_wait3A_74 : memref<128x128xf32, #tpu.memory_space<vmem_shared>>)
      tpu.yield
    }) : () -> ()
    %add3A_15 = arith.constant 384 : i32
    %add3A_16 = arith.addi %mul3A_8, %add3A_15 : i32
    "tpu.region"() ({
      %run_scoped3A = tpu.sem_alloc : memref<!tpu.dma_semaphore, #tpu.memory_space<semaphore_mem>>
      %dma_start3A = arith.constant 0 : i32
      %dma_start3A_69 = tpu.memref_slice %arg4[%add3A_16, %dma_start3A] : memref<10240x128xf32, #tpu.memory_space<vmem_shared>> -> memref<128x128xf32, #tpu.memory_space<vmem_shared>>
      %dma_start3A_70 = arith.constant 0 : i32
      %dma_start3A_71 = tpu.memref_slice %arg4[%add3A_16, %dma_start3A_70] : memref<10240x128xf32, #tpu.memory_space<vmem_shared>> -> memref<128x128xf32, #tpu.memory_space<vmem_shared>>
      tpu.enqueue_dma source(%arg6 : memref<128x128xf32, #tpu.memory_space<vmem>>) target(%dma_start3A_71 : memref<128x128xf32, #tpu.memory_space<vmem_shared>>) target_semaphore(%run_scoped3A : memref<!tpu.dma_semaphore, #tpu.memory_space<semaphore_mem>>)
      %dma_wait3A = arith.constant 0 : i32
      %dma_wait3A_72 = tpu.memref_slice %arg4[%add3A_16, %dma_wait3A] : memref<10240x128xf32, #tpu.memory_space<vmem_shared>> -> memref<128x128xf32, #tpu.memory_space<vmem_shared>>
      %dma_wait3A_73 = arith.constant 0 : i32
      %dma_wait3A_74 = tpu.memref_slice %arg4[%add3A_16, %dma_wait3A_73] : memref<10240x128xf32, #tpu.memory_space<vmem_shared>> -> memref<128x128xf32, #tpu.memory_space<vmem_shared>>
      tpu.wait_dma2 semaphore(%run_scoped3A : memref<!tpu.dma_semaphore, #tpu.memory_space<semaphore_mem>>) src(%arg6 : memref<128x128xf32, #tpu.memory_space<vmem>>) dst(%dma_wait3A_74 : memref<128x128xf32, #tpu.memory_space<vmem_shared>>)
      tpu.yield
    }) : () -> ()
    %add3A_17 = arith.constant 512 : i32
    %add3A_18 = arith.addi %mul3A_8, %add3A_17 : i32
    "tpu.region"() ({
      %run_scoped3A = tpu.sem_alloc : memref<!tpu.dma_semaphore, #tpu.memory_space<semaphore_mem>>
      %dma_start3A = arith.constant 0 : i32
      %dma_start3A_69 = tpu.memref_slice %arg4[%add3A_18, %dma_start3A] : memref<10240x128xf32, #tpu.memory_space<vmem_shared>> -> memref<128x128xf32, #tpu.memory_space<vmem_shared>>
      %dma_start3A_70 = arith.constant 0 : i32
      %dma_start3A_71 = tpu.memref_slice %arg4[%add3A_18, %dma_start3A_70] : memref<10240x128xf32, #tpu.memory_space<vmem_shared>> -> memref<128x128xf32, #tpu.memory_space<vmem_shared>>
      tpu.enqueue_dma source(%arg6 : memref<128x128xf32, #tpu.memory_space<vmem>>) target(%dma_start3A_71 : memref<128x128xf32, #tpu.memory_space<vmem_shared>>) target_semaphore(%run_scoped3A : memref<!tpu.dma_semaphore, #tpu.memory_space<semaphore_mem>>)
      %dma_wait3A = arith.constant 0 : i32
      %dma_wait3A_72 = tpu.memref_slice %arg4[%add3A_18, %dma_wait3A] : memref<10240x128xf32, #tpu.memory_space<vmem_shared>> -> memref<128x128xf32, #tpu.memory_space<vmem_shared>>
      %dma_wait3A_73 = arith.constant 0 : i32
      %dma_wait3A_74 = tpu.memref_slice %arg4[%add3A_18, %dma_wait3A_73] : memref<10240x128xf32, #tpu.memory_space<vmem_shared>> -> memref<128x128xf32, #tpu.memory_space<vmem_shared>>
      tpu.wait_dma2 semaphore(%run_scoped3A : memref<!tpu.dma_semaphore, #tpu.memory_space<semaphore_mem>>) src(%arg6 : memref<128x128xf32, #tpu.memory_space<vmem>>) dst(%dma_wait3A_74 : memref<128x128xf32, #tpu.memory_space<vmem_shared>>)
      tpu.yield
    }) : () -> ()
    %scan3A_19 = arith.constant 0 : i32
    %scan3A_20 = arith.constant 0 : i32
    %scan3A_21 = arith.constant 1024 : i32
    %scan3A_22 = arith.addi %scan3A_20, %scan3A_21 : i32
    %scan3A_23 = arith.constant 1 : i32
    %scan3A_24 = scf.for %scan3A_69 = %scan3A_20 to %scan3A_22 step %scan3A_23 iter_args(%scan3A_70 = %scan3A_19) -> (i32)  : i32 {
      %jit3A = arith.constant 8 : i32
      %div3A = arith.divsi %scan3A_69, %jit3A : i32
      %sign3A = arith.constant 0 : i32
      %sign3A_71 = arith.cmpi sgt, %scan3A_69, %sign3A : i32
      %sign3A_72 = arith.extui %sign3A_71 : i1 to i32
      %sign3A_73 = arith.constant 0 : i32
      %sign3A_74 = arith.cmpi slt, %scan3A_69, %sign3A_73 : i32
      %sign3A_75 = arith.extui %sign3A_74 : i1 to i32
      %sign3A_76 = arith.subi %sign3A_72, %sign3A_75 : i32
      %sign3A_77 = arith.constant 0 : i32
      %sign3A_78 = arith.cmpi sgt, %jit3A, %sign3A_77 : i32
      %sign3A_79 = arith.extui %sign3A_78 : i1 to i32
      %sign3A_80 = arith.constant 0 : i32
      %sign3A_81 = arith.cmpi slt, %jit3A, %sign3A_80 : i32
      %sign3A_82 = arith.extui %sign3A_81 : i1 to i32
      %sign3A_83 = arith.subi %sign3A_79, %sign3A_82 : i32
      %ne3A = arith.cmpi ne, %sign3A_76, %sign3A_83 : i32
      %rem3A = arith.remsi %scan3A_69, %jit3A : i32
      %ne3A_84 = arith.constant 0 : i32
      %ne3A_85 = arith.cmpi ne, %rem3A, %ne3A_84 : i32
      %and3A = arith.andi %ne3A, %ne3A_85 : i1
      %sub3A = arith.constant 1 : i32
      %sub3A_86 = arith.subi %div3A, %sub3A : i32
      %select_n3A = arith.select %and3A, %sub3A_86, %div3A : i32
      %jit3A_87 = arith.constant 8 : i32
      %eq3A = arith.constant 0 : i32
      %eq3A_88 = arith.cmpi eq, %jit3A_87, %eq3A : i32
      %jit3A_89 = arith.constant 1 : i32
      %select_n3A_90 = arith.select %eq3A_88, %jit3A_89, %jit3A_87 : i32
      %rem3A_91 = arith.remsi %scan3A_69, %select_n3A_90 : i32
      %ne3A_92 = arith.constant 0 : i32
      %ne3A_93 = arith.cmpi ne, %rem3A_91, %ne3A_92 : i32
      %lt3A = arith.constant 0 : i32
      %lt3A_94 = arith.cmpi slt, %rem3A_91, %lt3A : i32
      %lt3A_95 = arith.constant 0 : i32
      %lt3A_96 = arith.cmpi slt, %select_n3A_90, %lt3A_95 : i32
      %ne3A_97 = arith.xori %lt3A_94, %lt3A_96 : i1
      %and3A_98 = arith.andi %ne3A_97, %ne3A_93 : i1
      %add3A_99 = arith.addi %rem3A_91, %select_n3A_90 : i32
      %select_n3A_100 = arith.select %and3A_98, %add3A_99, %rem3A_91 : i32
      %mul3A_101 = arith.constant 16 : i32
      %mul3A_102 = arith.muli %select_n3A_100, %mul3A_101 : i32
      %broadcast_in_dim3A = arith.constant 1.000000e+00 : f32
      %broadcast_in_dim3A_103 = vector.broadcast %broadcast_in_dim3A : f32 to vector<16xf32>
      %swap3A = arith.index_cast %select_n3A : i32 to index
      %swap3A_104 = arith.index_cast %mul3A_102 : i32 to index
      %swap3A_105 = tpu.vector_load %arg6[%swap3A, %swap3A_104] {strides = array<i32>} : memref<128x128xf32, #tpu.memory_space<vmem>>, vector<1x16xf32>,
      %swap3A_106 = vector.shape_cast %swap3A_105 : vector<1x16xf32> to vector<16xf32>
      %swap3A_107 = vector.shape_cast %broadcast_in_dim3A_103 : vector<16xf32> to vector<1x16xf32>
      tpu.vector_store %arg6[%swap3A, %swap3A_104], %swap3A_107 {strides = array<i32>} : memref<128x128xf32, #tpu.memory_space<vmem>>, vector<1x16xf32>,
      %scan3A_108 = arith.constant 0 : i32
      scf.yield %scan3A_108 : i32
    }
    %scan3A_25 = arith.constant 1024 : i32
    %barrier3A = arith.constant 0 : index
    tpu.barrier barrier_id(%barrier3A)
    %scan3A_26 = arith.constant 0 : i32
    %scan3A_27 = arith.constant 0 : i32
    %scan3A_28 = arith.constant 80 : i32
    %scan3A_29 = arith.addi %scan3A_27, %scan3A_28 : i32
    %scan3A_30 = arith.constant 1 : i32
    %scan3A_31 = scf.for %scan3A_69 = %scan3A_27 to %scan3A_29 step %scan3A_30 iter_args(%scan3A_70 = %scan3A_26) -> (i32)  : i32 {
      "tpu.region"() ({
        %run_scoped3A = tpu.sem_alloc : memref<!tpu.dma_semaphore, #tpu.memory_space<semaphore_mem>>
        %dma_start3A = arith.constant 0 : i32
        %dma_start3A_72 = tpu.memref_slice %arg5[%scan3A_69, %dma_start3A] : memref<80x128xi32, #tpu.memory_space<vmem>> -> memref<1x128xi32, #tpu.memory_space<vmem>>
        %dma_start3A_73 = tpu.memref_squeeze %dma_start3A_72 : memref<1x128xi32, #tpu.memory_space<vmem>> -> memref<128xi32, #tpu.memory_space<vmem>>
        %dma_start3A_74 = arith.constant 0 : i32
        %dma_start3A_75 = arith.constant 0 : i32
        %dma_start3A_76 = tpu.memref_slice %arg4[%dma_start3A_74, %dma_start3A_75] : memref<10240x128xf32, #tpu.memory_space<vmem_shared>> -> memref<10240x128xf32, #tpu.memory_space<vmem_shared>>
        tpu.enqueue_indirect_dma source(%arg6 : memref<128x128xf32, #tpu.memory_space<vmem>>) target(%dma_start3A_76 : memref<10240x128xf32, #tpu.memory_space<vmem_shared>>) offsets(%dma_start3A_73 : memref<128xi32, #tpu.memory_space<vmem>>) semaphore(%run_scoped3A : memref<!tpu.dma_semaphore, #tpu.memory_space<semaphore_mem>>) {add = true}
        %dma_wait3A = arith.constant 0 : i32
        %dma_wait3A_77 = tpu.memref_slice %arg5[%scan3A_69, %dma_wait3A] : memref<80x128xi32, #tpu.memory_space<vmem>> -> memref<1x128xi32, #tpu.memory_space<vmem>>
        %dma_wait3A_78 = tpu.memref_squeeze %dma_wait3A_77 : memref<1x128xi32, #tpu.memory_space<vmem>> -> memref<128xi32, #tpu.memory_space<vmem>>
        %dma_wait3A_79 = arith.constant 0 : i32
        %dma_wait3A_80 = arith.constant 0 : i32
        %dma_wait3A_81 = tpu.memref_slice %arg4[%dma_wait3A_79, %dma_wait3A_80] : memref<10240x128xf32, #tpu.memory_space<vmem_shared>> -> memref<10240x128xf32, #tpu.memory_space<vmem_shared>>
        tpu.wait_indirect_dma semaphore(%run_scoped3A : memref<!tpu.dma_semaphore, #tpu.memory_space<semaphore_mem>>) src(%arg6 : memref<128x128xf32, #tpu.memory_space<vmem>>) dst(%dma_wait3A_81 : memref<10240x128xf32, #tpu.memory_space<vmem_shared>>)
        tpu.yield
      }) : () -> ()
      %scan3A_71 = arith.constant 0 : i32
      scf.yield %scan3A_71 : i32
    }
    %scan3A_32 = arith.constant 80 : i32
    %barrier3A_33 = arith.constant 0 : index
    tpu.barrier barrier_id(%barrier3A_33)
    %add3A_34 = arith.constant 0 : i32
    %add3A_35 = arith.addi %mul3A_8, %add3A_34 : i32
    "tpu.region"() ({
      %run_scoped3A = tpu.sem_alloc : memref<!tpu.dma_semaphore, #tpu.memory_space<semaphore_mem>>
      %dma_start3A = arith.constant 0 : i32
      %dma_start3A_69 = tpu.memref_slice %arg4[%add3A_35, %dma_start3A] : memref<10240x128xf32, #tpu.memory_space<vmem_shared>> -> memref<128x128xf32, #tpu.memory_space<vmem_shared>>
      %dma_start3A_70 = arith.constant 0 : i32
      %dma_start3A_71 = tpu.memref_slice %arg4[%add3A_35, %dma_start3A_70] : memref<10240x128xf32, #tpu.memory_space<vmem_shared>> -> memref<128x128xf32, #tpu.memory_space<vmem_shared>>
      tpu.enqueue_dma source(%dma_start3A_71 : memref<128x128xf32, #tpu.memory_space<vmem_shared>>) target(%arg6 : memref<128x128xf32, #tpu.memory_space<vmem>>) target_semaphore(%run_scoped3A : memref<!tpu.dma_semaphore, #tpu.memory_space<semaphore_mem>>)
      %dma_wait3A = arith.constant 0 : i32
      %dma_wait3A_72 = tpu.memref_slice %arg4[%add3A_35, %dma_wait3A] : memref<10240x128xf32, #tpu.memory_space<vmem_shared>> -> memref<128x128xf32, #tpu.memory_space<vmem_shared>>
      %dma_wait3A_73 = arith.constant 0 : i32
      %dma_wait3A_74 = tpu.memref_slice %arg4[%add3A_35, %dma_wait3A_73] : memref<10240x128xf32, #tpu.memory_space<vmem_shared>> -> memref<128x128xf32, #tpu.memory_space<vmem_shared>>
      tpu.wait_dma2 semaphore(%run_scoped3A : memref<!tpu.dma_semaphore, #tpu.memory_space<semaphore_mem>>) src(%dma_wait3A_74 : memref<128x128xf32, #tpu.memory_space<vmem_shared>>) dst(%arg6 : memref<128x128xf32, #tpu.memory_space<vmem>>)
      tpu.yield
    }) : () -> ()
    %mul3A_36 = arith.constant 10240 : i32
    %mul3A_37 = arith.muli %arg0, %mul3A_36 : i32
    %add3A_38 = arith.addi %mul3A_37, %mul3A_8 : i32
    %add3A_39 = arith.constant 0 : i32
    %add3A_40 = arith.addi %add3A_38, %add3A_39 : i32
    "tpu.region"() ({
      %run_scoped3A = tpu.sem_alloc : memref<!tpu.dma_semaphore, #tpu.memory_space<semaphore_mem>>
      %dma_start3A = arith.constant 0 : i32
      %dma_start3A_69 = tpu.memref_slice %arg3[%add3A_40, %dma_start3A] : memref<20480x128xf32, #tpu.memory_space<hbm>> -> memref<128x128xf32, #tpu.memory_space<hbm>>
      %dma_start3A_70 = arith.constant 0 : i32
      %dma_start3A_71 = tpu.memref_slice %arg3[%add3A_40, %dma_start3A_70] : memref<20480x128xf32, #tpu.memory_space<hbm>> -> memref<128x128xf32, #tpu.memory_space<hbm>>
      tpu.enqueue_dma source(%arg6 : memref<128x128xf32, #tpu.memory_space<vmem>>) target(%dma_start3A_71 : memref<128x128xf32, #tpu.memory_space<hbm>>) target_semaphore(%run_scoped3A : memref<!tpu.dma_semaphore, #tpu.memory_space<semaphore_mem>>)
      %dma_wait3A = arith.constant 0 : i32
      %dma_wait3A_72 = tpu.memref_slice %arg3[%add3A_40, %dma_wait3A] : memref<20480x128xf32, #tpu.memory_space<hbm>> -> memref<128x128xf32, #tpu.memory_space<hbm>>
      %dma_wait3A_73 = arith.constant 0 : i32
      %dma_wait3A_74 = tpu.memref_slice %arg3[%add3A_40, %dma_wait3A_73] : memref<20480x128xf32, #tpu.memory_space<hbm>> -> memref<128x128xf32, #tpu.memory_space<hbm>>
      tpu.wait_dma2 semaphore(%run_scoped3A : memref<!tpu.dma_semaphore, #tpu.memory_space<semaphore_mem>>) src(%arg6 : memref<128x128xf32, #tpu.memory_space<vmem>>) dst(%dma_wait3A_74 : memref<128x128xf32, #tpu.memory_space<hbm>>)
      tpu.yield
    }) : () -> ()
    %add3A_41 = arith.constant 128 : i32
    %add3A_42 = arith.addi %mul3A_8, %add3A_41 : i32
    "tpu.region"() ({
      %run_scoped3A = tpu.sem_alloc : memref<!tpu.dma_semaphore, #tpu.memory_space<semaphore_mem>>
      %dma_start3A = arith.constant 0 : i32
      %dma_start3A_69 = tpu.memref_slice %arg4[%add3A_42, %dma_start3A] : memref<10240x128xf32, #tpu.memory_space<vmem_shared>> -> memref<128x128xf32, #tpu.memory_space<vmem_shared>>
      %dma_start3A_70 = arith.constant 0 : i32
      %dma_start3A_71 = tpu.memref_slice %arg4[%add3A_42, %dma_start3A_70] : memref<10240x128xf32, #tpu.memory_space<vmem_shared>> -> memref<128x128xf32, #tpu.memory_space<vmem_shared>>
      tpu.enqueue_dma source(%dma_start3A_71 : memref<128x128xf32, #tpu.memory_space<vmem_shared>>) target(%arg6 : memref<128x128xf32, #tpu.memory_space<vmem>>) target_semaphore(%run_scoped3A : memref<!tpu.dma_semaphore, #tpu.memory_space<semaphore_mem>>)
      %dma_wait3A = arith.constant 0 : i32
      %dma_wait3A_72 = tpu.memref_slice %arg4[%add3A_42, %dma_wait3A] : memref<10240x128xf32, #tpu.memory_space<vmem_shared>> -> memref<128x128xf32, #tpu.memory_space<vmem_shared>>
      %dma_wait3A_73 = arith.constant 0 : i32
      %dma_wait3A_74 = tpu.memref_slice %arg4[%add3A_42, %dma_wait3A_73] : memref<10240x128xf32, #tpu.memory_space<vmem_shared>> -> memref<128x128xf32, #tpu.memory_space<vmem_shared>>
      tpu.wait_dma2 semaphore(%run_scoped3A : memref<!tpu.dma_semaphore, #tpu.memory_space<semaphore_mem>>) src(%dma_wait3A_74 : memref<128x128xf32, #tpu.memory_space<vmem_shared>>) dst(%arg6 : memref<128x128xf32, #tpu.memory_space<vmem>>)
      tpu.yield
    }) : () -> ()
    %mul3A_43 = arith.constant 10240 : i32
    %mul3A_44 = arith.muli %arg0, %mul3A_43 : i32
    %add3A_45 = arith.addi %mul3A_44, %mul3A_8 : i32
    %add3A_46 = arith.constant 128 : i32
    %add3A_47 = arith.addi %add3A_45, %add3A_46 : i32
    "tpu.region"() ({
      %run_scoped3A = tpu.sem_alloc : memref<!tpu.dma_semaphore, #tpu.memory_space<semaphore_mem>>
      %dma_start3A = arith.constant 0 : i32
      %dma_start3A_69 = tpu.memref_slice %arg3[%add3A_47, %dma_start3A] : memref<20480x128xf32, #tpu.memory_space<hbm>> -> memref<128x128xf32, #tpu.memory_space<hbm>>
      %dma_start3A_70 = arith.constant 0 : i32
      %dma_start3A_71 = tpu.memref_slice %arg3[%add3A_47, %dma_start3A_70] : memref<20480x128xf32, #tpu.memory_space<hbm>> -> memref<128x128xf32, #tpu.memory_space<hbm>>
      tpu.enqueue_dma source(%arg6 : memref<128x128xf32, #tpu.memory_space<vmem>>) target(%dma_start3A_71 : memref<128x128xf32, #tpu.memory_space<hbm>>) target_semaphore(%run_scoped3A : memref<!tpu.dma_semaphore, #tpu.memory_space<semaphore_mem>>)
      %dma_wait3A = arith.constant 0 : i32
      %dma_wait3A_72 = tpu.memref_slice %arg3[%add3A_47, %dma_wait3A] : memref<20480x128xf32, #tpu.memory_space<hbm>> -> memref<128x128xf32, #tpu.memory_space<hbm>>
      %dma_wait3A_73 = arith.constant 0 : i32
      %dma_wait3A_74 = tpu.memref_slice %arg3[%add3A_47, %dma_wait3A_73] : memref<20480x128xf32, #tpu.memory_space<hbm>> -> memref<128x128xf32, #tpu.memory_space<hbm>>
      tpu.wait_dma2 semaphore(%run_scoped3A : memref<!tpu.dma_semaphore, #tpu.memory_space<semaphore_mem>>) src(%arg6 : memref<128x128xf32, #tpu.memory_space<vmem>>) dst(%dma_wait3A_74 : memref<128x128xf32, #tpu.memory_space<hbm>>)
      tpu.yield
    }) : () -> ()
    %add3A_48 = arith.constant 256 : i32
    %add3A_49 = arith.addi %mul3A_8, %add3A_48 : i32
    "tpu.region"() ({
      %run_scoped3A = tpu.sem_alloc : memref<!tpu.dma_semaphore, #tpu.memory_space<semaphore_mem>>
      %dma_start3A = arith.constant 0 : i32
      %dma_start3A_69 = tpu.memref_slice %arg4[%add3A_49, %dma_start3A] : memref<10240x128xf32, #tpu.memory_space<vmem_shared>> -> memref<128x128xf32, #tpu.memory_space<vmem_shared>>
      %dma_start3A_70 = arith.constant 0 : i32
      %dma_start3A_71 = tpu.memref_slice %arg4[%add3A_49, %dma_start3A_70] : memref<10240x128xf32, #tpu.memory_space<vmem_shared>> -> memref<128x128xf32, #tpu.memory_space<vmem_shared>>
      tpu.enqueue_dma source(%dma_start3A_71 : memref<128x128xf32, #tpu.memory_space<vmem_shared>>) target(%arg6 : memref<128x128xf32, #tpu.memory_space<vmem>>) target_semaphore(%run_scoped3A : memref<!tpu.dma_semaphore, #tpu.memory_space<semaphore_mem>>)
      %dma_wait3A = arith.constant 0 : i32
      %dma_wait3A_72 = tpu.memref_slice %arg4[%add3A_49, %dma_wait3A] : memref<10240x128xf32, #tpu.memory_space<vmem_shared>> -> memref<128x128xf32, #tpu.memory_space<vmem_shared>>
      %dma_wait3A_73 = arith.constant 0 : i32
      %dma_wait3A_74 = tpu.memref_slice %arg4[%add3A_49, %dma_wait3A_73] : memref<10240x128xf32, #tpu.memory_space<vmem_shared>> -> memref<128x128xf32, #tpu.memory_space<vmem_shared>>
      tpu.wait_dma2 semaphore(%run_scoped3A : memref<!tpu.dma_semaphore, #tpu.memory_space<semaphore_mem>>) src(%dma_wait3A_74 : memref<128x128xf32, #tpu.memory_space<vmem_shared>>) dst(%arg6 : memref<128x128xf32, #tpu.memory_space<vmem>>)
      tpu.yield
    }) : () -> ()
    %mul3A_50 = arith.constant 10240 : i32
    %mul3A_51 = arith.muli %arg0, %mul3A_50 : i32
    %add3A_52 = arith.addi %mul3A_51, %mul3A_8 : i32
    %add3A_53 = arith.constant 256 : i32
    %add3A_54 = arith.addi %add3A_52, %add3A_53 : i32
    "tpu.region"() ({
      %run_scoped3A = tpu.sem_alloc : memref<!tpu.dma_semaphore, #tpu.memory_space<semaphore_mem>>
      %dma_start3A = arith.constant 0 : i32
      %dma_start3A_69 = tpu.memref_slice %arg3[%add3A_54, %dma_start3A] : memref<20480x128xf32, #tpu.memory_space<hbm>> -> memref<128x128xf32, #tpu.memory_space<hbm>>
      %dma_start3A_70 = arith.constant 0 : i32
      %dma_start3A_71 = tpu.memref_slice %arg3[%add3A_54, %dma_start3A_70] : memref<20480x128xf32, #tpu.memory_space<hbm>> -> memref<128x128xf32, #tpu.memory_space<hbm>>
      tpu.enqueue_dma source(%arg6 : memref<128x128xf32, #tpu.memory_space<vmem>>) target(%dma_start3A_71 : memref<128x128xf32, #tpu.memory_space<hbm>>) target_semaphore(%run_scoped3A : memref<!tpu.dma_semaphore, #tpu.memory_space<semaphore_mem>>)
      %dma_wait3A = arith.constant 0 : i32
      %dma_wait3A_72 = tpu.memref_slice %arg3[%add3A_54, %dma_wait3A] : memref<20480x128xf32, #tpu.memory_space<hbm>> -> memref<128x128xf32, #tpu.memory_space<hbm>>
      %dma_wait3A_73 = arith.constant 0 : i32
      %dma_wait3A_74 = tpu.memref_slice %arg3[%add3A_54, %dma_wait3A_73] : memref<20480x128xf32, #tpu.memory_space<hbm>> -> memref<128x128xf32, #tpu.memory_space<hbm>>
      tpu.wait_dma2 semaphore(%run_scoped3A : memref<!tpu.dma_semaphore, #tpu.memory_space<semaphore_mem>>) src(%arg6 : memref<128x128xf32, #tpu.memory_space<vmem>>) dst(%dma_wait3A_74 : memref<128x128xf32, #tpu.memory_space<hbm>>)
      tpu.yield
    }) : () -> ()
    %add3A_55 = arith.constant 384 : i32
    %add3A_56 = arith.addi %mul3A_8, %add3A_55 : i32
    "tpu.region"() ({
      %run_scoped3A = tpu.sem_alloc : memref<!tpu.dma_semaphore, #tpu.memory_space<semaphore_mem>>
      %dma_start3A = arith.constant 0 : i32
      %dma_start3A_69 = tpu.memref_slice %arg4[%add3A_56, %dma_start3A] : memref<10240x128xf32, #tpu.memory_space<vmem_shared>> -> memref<128x128xf32, #tpu.memory_space<vmem_shared>>
      %dma_start3A_70 = arith.constant 0 : i32
      %dma_start3A_71 = tpu.memref_slice %arg4[%add3A_56, %dma_start3A_70] : memref<10240x128xf32, #tpu.memory_space<vmem_shared>> -> memref<128x128xf32, #tpu.memory_space<vmem_shared>>
      tpu.enqueue_dma source(%dma_start3A_71 : memref<128x128xf32, #tpu.memory_space<vmem_shared>>) target(%arg6 : memref<128x128xf32, #tpu.memory_space<vmem>>) target_semaphore(%run_scoped3A : memref<!tpu.dma_semaphore, #tpu.memory_space<semaphore_mem>>)
      %dma_wait3A = arith.constant 0 : i32
      %dma_wait3A_72 = tpu.memref_slice %arg4[%add3A_56, %dma_wait3A] : memref<10240x128xf32, #tpu.memory_space<vmem_shared>> -> memref<128x128xf32, #tpu.memory_space<vmem_shared>>
      %dma_wait3A_73 = arith.constant 0 : i32
      %dma_wait3A_74 = tpu.memref_slice %arg4[%add3A_56, %dma_wait3A_73] : memref<10240x128xf32, #tpu.memory_space<vmem_shared>> -> memref<128x128xf32, #tpu.memory_space<vmem_shared>>
      tpu.wait_dma2 semaphore(%run_scoped3A : memref<!tpu.dma_semaphore, #tpu.memory_space<semaphore_mem>>) src(%dma_wait3A_74 : memref<128x128xf32, #tpu.memory_space<vmem_shared>>) dst(%arg6 : memref<128x128xf32, #tpu.memory_space<vmem>>)
      tpu.yield
    }) : () -> ()
    %mul3A_57 = arith.constant 10240 : i32
    %mul3A_58 = arith.muli %arg0, %mul3A_57 : i32
    %add3A_59 = arith.addi %mul3A_58, %mul3A_8 : i32
    %add3A_60 = arith.constant 384 : i32
    %add3A_61 = arith.addi %add3A_59, %add3A_60 : i32
    "tpu.region"() ({
      %run_scoped3A = tpu.sem_alloc : memref<!tpu.dma_semaphore, #tpu.memory_space<semaphore_mem>>
      %dma_start3A = arith.constant 0 : i32
      %dma_start3A_69 = tpu.memref_slice %arg3[%add3A_61, %dma_start3A] : memref<20480x128xf32, #tpu.memory_space<hbm>> -> memref<128x128xf32, #tpu.memory_space<hbm>>
      %dma_start3A_70 = arith.constant 0 : i32
      %dma_start3A_71 = tpu.memref_slice %arg3[%add3A_61, %dma_start3A_70] : memref<20480x128xf32, #tpu.memory_space<hbm>> -> memref<128x128xf32, #tpu.memory_space<hbm>>
      tpu.enqueue_dma source(%arg6 : memref<128x128xf32, #tpu.memory_space<vmem>>) target(%dma_start3A_71 : memref<128x128xf32, #tpu.memory_space<hbm>>) target_semaphore(%run_scoped3A : memref<!tpu.dma_semaphore, #tpu.memory_space<semaphore_mem>>)
      %dma_wait3A = arith.constant 0 : i32
      %dma_wait3A_72 = tpu.memref_slice %arg3[%add3A_61, %dma_wait3A] : memref<20480x128xf32, #tpu.memory_space<hbm>> -> memref<128x128xf32, #tpu.memory_space<hbm>>
      %dma_wait3A_73 = arith.constant 0 : i32
      %dma_wait3A_74 = tpu.memref_slice %arg3[%add3A_61, %dma_wait3A_73] : memref<20480x128xf32, #tpu.memory_space<hbm>> -> memref<128x128xf32, #tpu.memory_space<hbm>>
      tpu.wait_dma2 semaphore(%run_scoped3A : memref<!tpu.dma_semaphore, #tpu.memory_space<semaphore_mem>>) src(%arg6 : memref<128x128xf32, #tpu.memory_space<vmem>>) dst(%dma_wait3A_74 : memref<128x128xf32, #tpu.memory_space<hbm>>)
      tpu.yield
    }) : () -> ()
    %add3A_62 = arith.constant 512 : i32
    %add3A_63 = arith.addi %mul3A_8, %add3A_62 : i32
    "tpu.region"() ({
      %run_scoped3A = tpu.sem_alloc : memref<!tpu.dma_semaphore, #tpu.memory_space<semaphore_mem>>
      %dma_start3A = arith.constant 0 : i32
      %dma_start3A_69 = tpu.memref_slice %arg4[%add3A_63, %dma_start3A] : memref<10240x128xf32, #tpu.memory_space<vmem_shared>> -> memref<128x128xf32, #tpu.memory_space<vmem_shared>>
      %dma_start3A_70 = arith.constant 0 : i32
      %dma_start3A_71 = tpu.memref_slice %arg4[%add3A_63, %dma_start3A_70] : memref<10240x128xf32, #tpu.memory_space<vmem_shared>> -> memref<128x128xf32, #tpu.memory_space<vmem_shared>>
      tpu.enqueue_dma source(%dma_start3A_71 : memref<128x128xf32, #tpu.memory_space<vmem_shared>>) target(%arg6 : memref<128x128xf32, #tpu.memory_space<vmem>>) target_semaphore(%run_scoped3A : memref<!tpu.dma_semaphore, #tpu.memory_space<semaphore_mem>>)
      %dma_wait3A = arith.constant 0 : i32
      %dma_wait3A_72 = tpu.memref_slice %arg4[%add3A_63, %dma_wait3A] : memref<10240x128xf32, #tpu.memory_space<vmem_shared>> -> memref<128x128xf32, #tpu.memory_space<vmem_shared>>
      %dma_wait3A_73 = arith.constant 0 : i32
      %dma_wait3A_74 = tpu.memref_slice %arg4[%add3A_63, %dma_wait3A_73] : memref<10240x128xf32, #tpu.memory_space<vmem_shared>> -> memref<128x128xf32, #tpu.memory_space<vmem_shared>>
      tpu.wait_dma2 semaphore(%run_scoped3A : memref<!tpu.dma_semaphore, #tpu.memory_space<semaphore_mem>>) src(%dma_wait3A_74 : memref<128x128xf32, #tpu.memory_space<vmem_shared>>) dst(%arg6 : memref<128x128xf32, #tpu.memory_space<vmem>>)
      tpu.yield
    }) : () -> ()
    %mul3A_64 = arith.constant 10240 : i32
    %mul3A_65 = arith.muli %arg0, %mul3A_64 : i32
    %add3A_66 = arith.addi %mul3A_65, %mul3A_8 : i32
    %add3A_67 = arith.constant 512 : i32
    %add3A_68 = arith.addi %add3A_66, %add3A_67 : i32
    "tpu.region"() ({
      %run_scoped3A = tpu.sem_alloc : memref<!tpu.dma_semaphore, #tpu.memory_space<semaphore_mem>>
      %dma_start3A = arith.constant 0 : i32
      %dma_start3A_69 = tpu.memref_slice %arg3[%add3A_68, %dma_start3A] : memref<20480x128xf32, #tpu.memory_space<hbm>> -> memref<128x128xf32, #tpu.memory_space<hbm>>
      %dma_start3A_70 = arith.constant 0 : i32
      %dma_start3A_71 = tpu.memref_slice %arg3[%add3A_68, %dma_start3A_70] : memref<20480x128xf32, #tpu.memory_space<hbm>> -> memref<128x128xf32, #tpu.memory_space<hbm>>
      tpu.enqueue_dma source(%arg6 : memref<128x128xf32, #tpu.memory_space<vmem>>) target(%dma_start3A_71 : memref<128x128xf32, #tpu.memory_space<hbm>>) target_semaphore(%run_scoped3A : memref<!tpu.dma_semaphore, #tpu.memory_space<semaphore_mem>>)
      %dma_wait3A = arith.constant 0 : i32
      %dma_wait3A_72 = tpu.memref_slice %arg3[%add3A_68, %dma_wait3A] : memref<20480x128xf32, #tpu.memory_space<hbm>> -> memref<128x128xf32, #tpu.memory_space<hbm>>
      %dma_wait3A_73 = arith.constant 0 : i32
      %dma_wait3A_74 = tpu.memref_slice %arg3[%add3A_68, %dma_wait3A_73] : memref<20480x128xf32, #tpu.memory_space<hbm>> -> memref<128x128xf32, #tpu.memory_space<hbm>>
      tpu.wait_dma2 semaphore(%run_scoped3A : memref<!tpu.dma_semaphore, #tpu.memory_space<semaphore_mem>>) src(%arg6 : memref<128x128xf32, #tpu.memory_space<vmem>>) dst(%dma_wait3A_74 : memref<128x128xf32, #tpu.memory_space<hbm>>)
      tpu.yield
    }) : () -> ()
    return
  }
}

#map = affine_map<(d0, d1) -> (0, 0)>
#map1 = affine_map<(d0, d1) -> (0, 0, 0)>
module attributes {stable_mosaic.version = 14 : i64} {
  func.func @prop_kernel(%arg0: i32, %arg1: i32, %arg2: memref<10240x128xf32, #tpu.memory_space<hbm>>, %arg3: memref<32x80x128xi32, #tpu.memory_space<hbm>>, %arg4: memref<32x80x128xi32, #tpu.memory_space<hbm>>, %arg5: memref<20480x128xf32, #tpu.memory_space<hbm>>, %arg6: memref<10240x128xf32, #tpu.memory_space<vmem_shared>>, %arg7: memref<80x128xi32, #tpu.memory_space<vmem>>, %arg8: memref<80x128xi32, #tpu.memory_space<vmem>>, %arg9: memref<128x128xf32, #tpu.memory_space<vmem>>, %arg10: memref<!tpu.dma_semaphore, #tpu.memory_space<semaphore_mem>>) attributes {dimension_semantics = [#tpu.dimension_semantics<core_parallel>, #tpu.dimension_semantics<subcore_parallel>], iteration_bounds = array<i64: 2, 16>, scalar_prefetch = 0 : i64, scratch_operands = 5 : i64, tpu.core_type = #tpu.core_type<sc_vector_subcore>, window_params = [{transform_indices = #map}, {transform_indices = #map1}, {transform_indices = #map1}, {transform_indices = #map}]} {
    %mul3A = arith.constant 2 : i32
    %mul3A_0 = arith.muli %arg1, %mul3A : i32
    %add3A = arith.addi %mul3A_0, %arg0 : i32
    "tpu.region"() ({
      %run_scoped3A = tpu.sem_alloc : memref<!tpu.dma_semaphore, #tpu.memory_space<semaphore_mem>>
      %dma_start3A = arith.constant 0 : i32
      %dma_start3A_62 = arith.constant 0 : i32
      %dma_start3A_63 = tpu.memref_slice %arg3[%add3A, %dma_start3A, %dma_start3A_62] : memref<32x80x128xi32, #tpu.memory_space<hbm>> -> memref<1x80x128xi32, #tpu.memory_space<hbm>>
      %dma_start3A_64 = tpu.memref_squeeze %dma_start3A_63 : memref<1x80x128xi32, #tpu.memory_space<hbm>> -> memref<80x128xi32, #tpu.memory_space<hbm>>
      %dma_start3A_65 = arith.constant 0 : i32
      %dma_start3A_66 = arith.constant 0 : i32
      %dma_start3A_67 = tpu.memref_slice %arg3[%add3A, %dma_start3A_65, %dma_start3A_66] : memref<32x80x128xi32, #tpu.memory_space<hbm>> -> memref<1x80x128xi32, #tpu.memory_space<hbm>>
      %dma_start3A_68 = tpu.memref_squeeze %dma_start3A_67 : memref<1x80x128xi32, #tpu.memory_space<hbm>> -> memref<80x128xi32, #tpu.memory_space<hbm>>
      tpu.enqueue_dma source(%dma_start3A_68 : memref<80x128xi32, #tpu.memory_space<hbm>>) target(%arg7 : memref<80x128xi32, #tpu.memory_space<vmem>>) target_semaphore(%run_scoped3A : memref<!tpu.dma_semaphore, #tpu.memory_space<semaphore_mem>>)
      %dma_wait3A = arith.constant 0 : i32
      %dma_wait3A_69 = arith.constant 0 : i32
      %dma_wait3A_70 = tpu.memref_slice %arg3[%add3A, %dma_wait3A, %dma_wait3A_69] : memref<32x80x128xi32, #tpu.memory_space<hbm>> -> memref<1x80x128xi32, #tpu.memory_space<hbm>>
      %dma_wait3A_71 = tpu.memref_squeeze %dma_wait3A_70 : memref<1x80x128xi32, #tpu.memory_space<hbm>> -> memref<80x128xi32, #tpu.memory_space<hbm>>
      %dma_wait3A_72 = arith.constant 0 : i32
      %dma_wait3A_73 = arith.constant 0 : i32
      %dma_wait3A_74 = tpu.memref_slice %arg3[%add3A, %dma_wait3A_72, %dma_wait3A_73] : memref<32x80x128xi32, #tpu.memory_space<hbm>> -> memref<1x80x128xi32, #tpu.memory_space<hbm>>
      %dma_wait3A_75 = tpu.memref_squeeze %dma_wait3A_74 : memref<1x80x128xi32, #tpu.memory_space<hbm>> -> memref<80x128xi32, #tpu.memory_space<hbm>>
      tpu.wait_dma2 semaphore(%run_scoped3A : memref<!tpu.dma_semaphore, #tpu.memory_space<semaphore_mem>>) src(%dma_wait3A_75 : memref<80x128xi32, #tpu.memory_space<hbm>>) dst(%arg7 : memref<80x128xi32, #tpu.memory_space<vmem>>)
      tpu.yield
    }) : () -> ()
    "tpu.region"() ({
      %run_scoped3A = tpu.sem_alloc : memref<!tpu.dma_semaphore, #tpu.memory_space<semaphore_mem>>
      %dma_start3A = arith.constant 0 : i32
      %dma_start3A_62 = arith.constant 0 : i32
      %dma_start3A_63 = tpu.memref_slice %arg4[%add3A, %dma_start3A, %dma_start3A_62] : memref<32x80x128xi32, #tpu.memory_space<hbm>> -> memref<1x80x128xi32, #tpu.memory_space<hbm>>
      %dma_start3A_64 = tpu.memref_squeeze %dma_start3A_63 : memref<1x80x128xi32, #tpu.memory_space<hbm>> -> memref<80x128xi32, #tpu.memory_space<hbm>>
      %dma_start3A_65 = arith.constant 0 : i32
      %dma_start3A_66 = arith.constant 0 : i32
      %dma_start3A_67 = tpu.memref_slice %arg4[%add3A, %dma_start3A_65, %dma_start3A_66] : memref<32x80x128xi32, #tpu.memory_space<hbm>> -> memref<1x80x128xi32, #tpu.memory_space<hbm>>
      %dma_start3A_68 = tpu.memref_squeeze %dma_start3A_67 : memref<1x80x128xi32, #tpu.memory_space<hbm>> -> memref<80x128xi32, #tpu.memory_space<hbm>>
      tpu.enqueue_dma source(%dma_start3A_68 : memref<80x128xi32, #tpu.memory_space<hbm>>) target(%arg8 : memref<80x128xi32, #tpu.memory_space<vmem>>) target_semaphore(%run_scoped3A : memref<!tpu.dma_semaphore, #tpu.memory_space<semaphore_mem>>)
      %dma_wait3A = arith.constant 0 : i32
      %dma_wait3A_69 = arith.constant 0 : i32
      %dma_wait3A_70 = tpu.memref_slice %arg4[%add3A, %dma_wait3A, %dma_wait3A_69] : memref<32x80x128xi32, #tpu.memory_space<hbm>> -> memref<1x80x128xi32, #tpu.memory_space<hbm>>
      %dma_wait3A_71 = tpu.memref_squeeze %dma_wait3A_70 : memref<1x80x128xi32, #tpu.memory_space<hbm>> -> memref<80x128xi32, #tpu.memory_space<hbm>>
      %dma_wait3A_72 = arith.constant 0 : i32
      %dma_wait3A_73 = arith.constant 0 : i32
      %dma_wait3A_74 = tpu.memref_slice %arg4[%add3A, %dma_wait3A_72, %dma_wait3A_73] : memref<32x80x128xi32, #tpu.memory_space<hbm>> -> memref<1x80x128xi32, #tpu.memory_space<hbm>>
      %dma_wait3A_75 = tpu.memref_squeeze %dma_wait3A_74 : memref<1x80x128xi32, #tpu.memory_space<hbm>> -> memref<80x128xi32, #tpu.memory_space<hbm>>
      tpu.wait_dma2 semaphore(%run_scoped3A : memref<!tpu.dma_semaphore, #tpu.memory_space<semaphore_mem>>) src(%dma_wait3A_75 : memref<80x128xi32, #tpu.memory_space<hbm>>) dst(%arg8 : memref<80x128xi32, #tpu.memory_space<vmem>>)
      tpu.yield
    }) : () -> ()
    %scan3A = arith.constant 0 : i32
    %scan3A_1 = arith.constant 0 : i32
    %scan3A_2 = arith.constant 1024 : i32
    %scan3A_3 = arith.addi %scan3A_1, %scan3A_2 : i32
    %scan3A_4 = arith.constant 1 : i32
    %scan3A_5 = scf.for %scan3A_62 = %scan3A_1 to %scan3A_3 step %scan3A_4 iter_args(%scan3A_63 = %scan3A) -> (i32)  : i32 {
      %jit3A = arith.constant 8 : i32
      %div3A = arith.divsi %scan3A_62, %jit3A : i32
      %sign3A = arith.constant 0 : i32
      %sign3A_64 = arith.cmpi sgt, %scan3A_62, %sign3A : i32
      %sign3A_65 = arith.extui %sign3A_64 : i1 to i32
      %sign3A_66 = arith.constant 0 : i32
      %sign3A_67 = arith.cmpi slt, %scan3A_62, %sign3A_66 : i32
      %sign3A_68 = arith.extui %sign3A_67 : i1 to i32
      %sign3A_69 = arith.subi %sign3A_65, %sign3A_68 : i32
      %sign3A_70 = arith.constant 0 : i32
      %sign3A_71 = arith.cmpi sgt, %jit3A, %sign3A_70 : i32
      %sign3A_72 = arith.extui %sign3A_71 : i1 to i32
      %sign3A_73 = arith.constant 0 : i32
      %sign3A_74 = arith.cmpi slt, %jit3A, %sign3A_73 : i32
      %sign3A_75 = arith.extui %sign3A_74 : i1 to i32
      %sign3A_76 = arith.subi %sign3A_72, %sign3A_75 : i32
      %ne3A = arith.cmpi ne, %sign3A_69, %sign3A_76 : i32
      %rem3A = arith.remsi %scan3A_62, %jit3A : i32
      %ne3A_77 = arith.constant 0 : i32
      %ne3A_78 = arith.cmpi ne, %rem3A, %ne3A_77 : i32
      %and3A = arith.andi %ne3A, %ne3A_78 : i1
      %sub3A = arith.constant 1 : i32
      %sub3A_79 = arith.subi %div3A, %sub3A : i32
      %select_n3A = arith.select %and3A, %sub3A_79, %div3A : i32
      %jit3A_80 = arith.constant 8 : i32
      %eq3A = arith.constant 0 : i32
      %eq3A_81 = arith.cmpi eq, %jit3A_80, %eq3A : i32
      %jit3A_82 = arith.constant 1 : i32
      %select_n3A_83 = arith.select %eq3A_81, %jit3A_82, %jit3A_80 : i32
      %rem3A_84 = arith.remsi %scan3A_62, %select_n3A_83 : i32
      %ne3A_85 = arith.constant 0 : i32
      %ne3A_86 = arith.cmpi ne, %rem3A_84, %ne3A_85 : i32
      %lt3A = arith.constant 0 : i32
      %lt3A_87 = arith.cmpi slt, %rem3A_84, %lt3A : i32
      %lt3A_88 = arith.constant 0 : i32
      %lt3A_89 = arith.cmpi slt, %select_n3A_83, %lt3A_88 : i32
      %ne3A_90 = arith.xori %lt3A_87, %lt3A_89 : i1
      %and3A_91 = arith.andi %ne3A_90, %ne3A_86 : i1
      %add3A_92 = arith.addi %rem3A_84, %select_n3A_83 : i32
      %select_n3A_93 = arith.select %and3A_91, %add3A_92, %rem3A_84 : i32
      %mul3A_94 = arith.constant 16 : i32
      %mul3A_95 = arith.muli %select_n3A_93, %mul3A_94 : i32
      %broadcast_in_dim3A = arith.constant 0.000000e+00 : f32
      %broadcast_in_dim3A_96 = vector.broadcast %broadcast_in_dim3A : f32 to vector<16xf32>
      %swap3A = arith.index_cast %select_n3A : i32 to index
      %swap3A_97 = arith.index_cast %mul3A_95 : i32 to index
      %swap3A_98 = tpu.vector_load %arg9[%swap3A, %swap3A_97] {strides = array<i32>} : memref<128x128xf32, #tpu.memory_space<vmem>>, vector<1x16xf32>,
      %swap3A_99 = vector.shape_cast %swap3A_98 : vector<1x16xf32> to vector<16xf32>
      %swap3A_100 = vector.shape_cast %broadcast_in_dim3A_96 : vector<16xf32> to vector<1x16xf32>
      tpu.vector_store %arg9[%swap3A, %swap3A_97], %swap3A_100 {strides = array<i32>} : memref<128x128xf32, #tpu.memory_space<vmem>>, vector<1x16xf32>,
      %scan3A_101 = arith.constant 0 : i32
      scf.yield %scan3A_101 : i32
    }
    %scan3A_6 = arith.constant 1024 : i32
    %mul3A_7 = arith.constant 640 : i32
    %mul3A_8 = arith.muli %arg1, %mul3A_7 : i32
    %add3A_9 = arith.constant 0 : i32
    %add3A_10 = arith.addi %mul3A_8, %add3A_9 : i32
    "tpu.region"() ({
      %run_scoped3A = tpu.sem_alloc : memref<!tpu.dma_semaphore, #tpu.memory_space<semaphore_mem>>
      %dma_start3A = arith.constant 0 : i32
      %dma_start3A_62 = tpu.memref_slice %arg6[%add3A_10, %dma_start3A] : memref<10240x128xf32, #tpu.memory_space<vmem_shared>> -> memref<128x128xf32, #tpu.memory_space<vmem_shared>>
      %dma_start3A_63 = arith.constant 0 : i32
      %dma_start3A_64 = tpu.memref_slice %arg6[%add3A_10, %dma_start3A_63] : memref<10240x128xf32, #tpu.memory_space<vmem_shared>> -> memref<128x128xf32, #tpu.memory_space<vmem_shared>>
      tpu.enqueue_dma source(%arg9 : memref<128x128xf32, #tpu.memory_space<vmem>>) target(%dma_start3A_64 : memref<128x128xf32, #tpu.memory_space<vmem_shared>>) target_semaphore(%run_scoped3A : memref<!tpu.dma_semaphore, #tpu.memory_space<semaphore_mem>>)
      %dma_wait3A = arith.constant 0 : i32
      %dma_wait3A_65 = tpu.memref_slice %arg6[%add3A_10, %dma_wait3A] : memref<10240x128xf32, #tpu.memory_space<vmem_shared>> -> memref<128x128xf32, #tpu.memory_space<vmem_shared>>
      %dma_wait3A_66 = arith.constant 0 : i32
      %dma_wait3A_67 = tpu.memref_slice %arg6[%add3A_10, %dma_wait3A_66] : memref<10240x128xf32, #tpu.memory_space<vmem_shared>> -> memref<128x128xf32, #tpu.memory_space<vmem_shared>>
      tpu.wait_dma2 semaphore(%run_scoped3A : memref<!tpu.dma_semaphore, #tpu.memory_space<semaphore_mem>>) src(%arg9 : memref<128x128xf32, #tpu.memory_space<vmem>>) dst(%dma_wait3A_67 : memref<128x128xf32, #tpu.memory_space<vmem_shared>>)
      tpu.yield
    }) : () -> ()
    %add3A_11 = arith.constant 128 : i32
    %add3A_12 = arith.addi %mul3A_8, %add3A_11 : i32
    "tpu.region"() ({
      %run_scoped3A = tpu.sem_alloc : memref<!tpu.dma_semaphore, #tpu.memory_space<semaphore_mem>>
      %dma_start3A = arith.constant 0 : i32
      %dma_start3A_62 = tpu.memref_slice %arg6[%add3A_12, %dma_start3A] : memref<10240x128xf32, #tpu.memory_space<vmem_shared>> -> memref<128x128xf32, #tpu.memory_space<vmem_shared>>
      %dma_start3A_63 = arith.constant 0 : i32
      %dma_start3A_64 = tpu.memref_slice %arg6[%add3A_12, %dma_start3A_63] : memref<10240x128xf32, #tpu.memory_space<vmem_shared>> -> memref<128x128xf32, #tpu.memory_space<vmem_shared>>
      tpu.enqueue_dma source(%arg9 : memref<128x128xf32, #tpu.memory_space<vmem>>) target(%dma_start3A_64 : memref<128x128xf32, #tpu.memory_space<vmem_shared>>) target_semaphore(%run_scoped3A : memref<!tpu.dma_semaphore, #tpu.memory_space<semaphore_mem>>)
      %dma_wait3A = arith.constant 0 : i32
      %dma_wait3A_65 = tpu.memref_slice %arg6[%add3A_12, %dma_wait3A] : memref<10240x128xf32, #tpu.memory_space<vmem_shared>> -> memref<128x128xf32, #tpu.memory_space<vmem_shared>>
      %dma_wait3A_66 = arith.constant 0 : i32
      %dma_wait3A_67 = tpu.memref_slice %arg6[%add3A_12, %dma_wait3A_66] : memref<10240x128xf32, #tpu.memory_space<vmem_shared>> -> memref<128x128xf32, #tpu.memory_space<vmem_shared>>
      tpu.wait_dma2 semaphore(%run_scoped3A : memref<!tpu.dma_semaphore, #tpu.memory_space<semaphore_mem>>) src(%arg9 : memref<128x128xf32, #tpu.memory_space<vmem>>) dst(%dma_wait3A_67 : memref<128x128xf32, #tpu.memory_space<vmem_shared>>)
      tpu.yield
    }) : () -> ()
    %add3A_13 = arith.constant 256 : i32
    %add3A_14 = arith.addi %mul3A_8, %add3A_13 : i32
    "tpu.region"() ({
      %run_scoped3A = tpu.sem_alloc : memref<!tpu.dma_semaphore, #tpu.memory_space<semaphore_mem>>
      %dma_start3A = arith.constant 0 : i32
      %dma_start3A_62 = tpu.memref_slice %arg6[%add3A_14, %dma_start3A] : memref<10240x128xf32, #tpu.memory_space<vmem_shared>> -> memref<128x128xf32, #tpu.memory_space<vmem_shared>>
      %dma_start3A_63 = arith.constant 0 : i32
      %dma_start3A_64 = tpu.memref_slice %arg6[%add3A_14, %dma_start3A_63] : memref<10240x128xf32, #tpu.memory_space<vmem_shared>> -> memref<128x128xf32, #tpu.memory_space<vmem_shared>>
      tpu.enqueue_dma source(%arg9 : memref<128x128xf32, #tpu.memory_space<vmem>>) target(%dma_start3A_64 : memref<128x128xf32, #tpu.memory_space<vmem_shared>>) target_semaphore(%run_scoped3A : memref<!tpu.dma_semaphore, #tpu.memory_space<semaphore_mem>>)
      %dma_wait3A = arith.constant 0 : i32
      %dma_wait3A_65 = tpu.memref_slice %arg6[%add3A_14, %dma_wait3A] : memref<10240x128xf32, #tpu.memory_space<vmem_shared>> -> memref<128x128xf32, #tpu.memory_space<vmem_shared>>
      %dma_wait3A_66 = arith.constant 0 : i32
      %dma_wait3A_67 = tpu.memref_slice %arg6[%add3A_14, %dma_wait3A_66] : memref<10240x128xf32, #tpu.memory_space<vmem_shared>> -> memref<128x128xf32, #tpu.memory_space<vmem_shared>>
      tpu.wait_dma2 semaphore(%run_scoped3A : memref<!tpu.dma_semaphore, #tpu.memory_space<semaphore_mem>>) src(%arg9 : memref<128x128xf32, #tpu.memory_space<vmem>>) dst(%dma_wait3A_67 : memref<128x128xf32, #tpu.memory_space<vmem_shared>>)
      tpu.yield
    }) : () -> ()
    %add3A_15 = arith.constant 384 : i32
    %add3A_16 = arith.addi %mul3A_8, %add3A_15 : i32
    "tpu.region"() ({
      %run_scoped3A = tpu.sem_alloc : memref<!tpu.dma_semaphore, #tpu.memory_space<semaphore_mem>>
      %dma_start3A = arith.constant 0 : i32
      %dma_start3A_62 = tpu.memref_slice %arg6[%add3A_16, %dma_start3A] : memref<10240x128xf32, #tpu.memory_space<vmem_shared>> -> memref<128x128xf32, #tpu.memory_space<vmem_shared>>
      %dma_start3A_63 = arith.constant 0 : i32
      %dma_start3A_64 = tpu.memref_slice %arg6[%add3A_16, %dma_start3A_63] : memref<10240x128xf32, #tpu.memory_space<vmem_shared>> -> memref<128x128xf32, #tpu.memory_space<vmem_shared>>
      tpu.enqueue_dma source(%arg9 : memref<128x128xf32, #tpu.memory_space<vmem>>) target(%dma_start3A_64 : memref<128x128xf32, #tpu.memory_space<vmem_shared>>) target_semaphore(%run_scoped3A : memref<!tpu.dma_semaphore, #tpu.memory_space<semaphore_mem>>)
      %dma_wait3A = arith.constant 0 : i32
      %dma_wait3A_65 = tpu.memref_slice %arg6[%add3A_16, %dma_wait3A] : memref<10240x128xf32, #tpu.memory_space<vmem_shared>> -> memref<128x128xf32, #tpu.memory_space<vmem_shared>>
      %dma_wait3A_66 = arith.constant 0 : i32
      %dma_wait3A_67 = tpu.memref_slice %arg6[%add3A_16, %dma_wait3A_66] : memref<10240x128xf32, #tpu.memory_space<vmem_shared>> -> memref<128x128xf32, #tpu.memory_space<vmem_shared>>
      tpu.wait_dma2 semaphore(%run_scoped3A : memref<!tpu.dma_semaphore, #tpu.memory_space<semaphore_mem>>) src(%arg9 : memref<128x128xf32, #tpu.memory_space<vmem>>) dst(%dma_wait3A_67 : memref<128x128xf32, #tpu.memory_space<vmem_shared>>)
      tpu.yield
    }) : () -> ()
    %add3A_17 = arith.constant 512 : i32
    %add3A_18 = arith.addi %mul3A_8, %add3A_17 : i32
    "tpu.region"() ({
      %run_scoped3A = tpu.sem_alloc : memref<!tpu.dma_semaphore, #tpu.memory_space<semaphore_mem>>
      %dma_start3A = arith.constant 0 : i32
      %dma_start3A_62 = tpu.memref_slice %arg6[%add3A_18, %dma_start3A] : memref<10240x128xf32, #tpu.memory_space<vmem_shared>> -> memref<128x128xf32, #tpu.memory_space<vmem_shared>>
      %dma_start3A_63 = arith.constant 0 : i32
      %dma_start3A_64 = tpu.memref_slice %arg6[%add3A_18, %dma_start3A_63] : memref<10240x128xf32, #tpu.memory_space<vmem_shared>> -> memref<128x128xf32, #tpu.memory_space<vmem_shared>>
      tpu.enqueue_dma source(%arg9 : memref<128x128xf32, #tpu.memory_space<vmem>>) target(%dma_start3A_64 : memref<128x128xf32, #tpu.memory_space<vmem_shared>>) target_semaphore(%run_scoped3A : memref<!tpu.dma_semaphore, #tpu.memory_space<semaphore_mem>>)
      %dma_wait3A = arith.constant 0 : i32
      %dma_wait3A_65 = tpu.memref_slice %arg6[%add3A_18, %dma_wait3A] : memref<10240x128xf32, #tpu.memory_space<vmem_shared>> -> memref<128x128xf32, #tpu.memory_space<vmem_shared>>
      %dma_wait3A_66 = arith.constant 0 : i32
      %dma_wait3A_67 = tpu.memref_slice %arg6[%add3A_18, %dma_wait3A_66] : memref<10240x128xf32, #tpu.memory_space<vmem_shared>> -> memref<128x128xf32, #tpu.memory_space<vmem_shared>>
      tpu.wait_dma2 semaphore(%run_scoped3A : memref<!tpu.dma_semaphore, #tpu.memory_space<semaphore_mem>>) src(%arg9 : memref<128x128xf32, #tpu.memory_space<vmem>>) dst(%dma_wait3A_67 : memref<128x128xf32, #tpu.memory_space<vmem_shared>>)
      tpu.yield
    }) : () -> ()
    %barrier3A = arith.constant 0 : index
    tpu.barrier barrier_id(%barrier3A)
    %scan3A_19 = arith.constant 0 : i32
    %scan3A_20 = arith.constant 0 : i32
    %scan3A_21 = arith.constant 80 : i32
    %scan3A_22 = arith.addi %scan3A_20, %scan3A_21 : i32
    %scan3A_23 = arith.constant 1 : i32
    %scan3A_24 = scf.for %scan3A_62 = %scan3A_20 to %scan3A_22 step %scan3A_23 iter_args(%scan3A_63 = %scan3A_19) -> (i32)  : i32 {
      %dma_start3A = arith.constant 0 : i32
      %dma_start3A_64 = tpu.memref_slice %arg7[%scan3A_62, %dma_start3A] : memref<80x128xi32, #tpu.memory_space<vmem>> -> memref<1x128xi32, #tpu.memory_space<vmem>>
      %dma_start3A_65 = tpu.memref_squeeze %dma_start3A_64 : memref<1x128xi32, #tpu.memory_space<vmem>> -> memref<128xi32, #tpu.memory_space<vmem>>
      %dma_start3A_66 = arith.constant 0 : i32
      %dma_start3A_67 = arith.constant 0 : i32
      %dma_start3A_68 = tpu.memref_slice %arg2[%dma_start3A_66, %dma_start3A_67] : memref<10240x128xf32, #tpu.memory_space<hbm>> -> memref<10240x128xf32, #tpu.memory_space<hbm>>
      tpu.enqueue_indirect_dma source(%dma_start3A_68 : memref<10240x128xf32, #tpu.memory_space<hbm>>) target(%arg9 : memref<128x128xf32, #tpu.memory_space<vmem>>) offsets(%dma_start3A_65 : memref<128xi32, #tpu.memory_space<vmem>>) semaphore(%arg10 : memref<!tpu.dma_semaphore, #tpu.memory_space<semaphore_mem>>)
      %dma_wait3A = arith.constant 0 : i32
      %dma_wait3A_69 = tpu.memref_slice %arg7[%scan3A_62, %dma_wait3A] : memref<80x128xi32, #tpu.memory_space<vmem>> -> memref<1x128xi32, #tpu.memory_space<vmem>>
      %dma_wait3A_70 = tpu.memref_squeeze %dma_wait3A_69 : memref<1x128xi32, #tpu.memory_space<vmem>> -> memref<128xi32, #tpu.memory_space<vmem>>
      %dma_wait3A_71 = arith.constant 0 : i32
      %dma_wait3A_72 = arith.constant 0 : i32
      %dma_wait3A_73 = tpu.memref_slice %arg2[%dma_wait3A_71, %dma_wait3A_72] : memref<10240x128xf32, #tpu.memory_space<hbm>> -> memref<10240x128xf32, #tpu.memory_space<hbm>>
      tpu.wait_indirect_dma semaphore(%arg10 : memref<!tpu.dma_semaphore, #tpu.memory_space<semaphore_mem>>) src(%dma_wait3A_73 : memref<10240x128xf32, #tpu.memory_space<hbm>>) dst(%arg9 : memref<128x128xf32, #tpu.memory_space<vmem>>)
      "tpu.region"() ({
        %run_scoped3A = tpu.sem_alloc : memref<!tpu.dma_semaphore, #tpu.memory_space<semaphore_mem>>
        %dma_start3A_75 = arith.constant 0 : i32
        %dma_start3A_76 = tpu.memref_slice %arg8[%scan3A_62, %dma_start3A_75] : memref<80x128xi32, #tpu.memory_space<vmem>> -> memref<1x128xi32, #tpu.memory_space<vmem>>
        %dma_start3A_77 = tpu.memref_squeeze %dma_start3A_76 : memref<1x128xi32, #tpu.memory_space<vmem>> -> memref<128xi32, #tpu.memory_space<vmem>>
        %dma_start3A_78 = arith.constant 0 : i32
        %dma_start3A_79 = arith.constant 0 : i32
        %dma_start3A_80 = tpu.memref_slice %arg6[%dma_start3A_78, %dma_start3A_79] : memref<10240x128xf32, #tpu.memory_space<vmem_shared>> -> memref<10240x128xf32, #tpu.memory_space<vmem_shared>>
        tpu.enqueue_indirect_dma source(%arg9 : memref<128x128xf32, #tpu.memory_space<vmem>>) target(%dma_start3A_80 : memref<10240x128xf32, #tpu.memory_space<vmem_shared>>) offsets(%dma_start3A_77 : memref<128xi32, #tpu.memory_space<vmem>>) semaphore(%run_scoped3A : memref<!tpu.dma_semaphore, #tpu.memory_space<semaphore_mem>>) {add = true}
        %dma_wait3A_81 = arith.constant 0 : i32
        %dma_wait3A_82 = tpu.memref_slice %arg8[%scan3A_62, %dma_wait3A_81] : memref<80x128xi32, #tpu.memory_space<vmem>> -> memref<1x128xi32, #tpu.memory_space<vmem>>
        %dma_wait3A_83 = tpu.memref_squeeze %dma_wait3A_82 : memref<1x128xi32, #tpu.memory_space<vmem>> -> memref<128xi32, #tpu.memory_space<vmem>>
        %dma_wait3A_84 = arith.constant 0 : i32
        %dma_wait3A_85 = arith.constant 0 : i32
        %dma_wait3A_86 = tpu.memref_slice %arg6[%dma_wait3A_84, %dma_wait3A_85] : memref<10240x128xf32, #tpu.memory_space<vmem_shared>> -> memref<10240x128xf32, #tpu.memory_space<vmem_shared>>
        tpu.wait_indirect_dma semaphore(%run_scoped3A : memref<!tpu.dma_semaphore, #tpu.memory_space<semaphore_mem>>) src(%arg9 : memref<128x128xf32, #tpu.memory_space<vmem>>) dst(%dma_wait3A_86 : memref<10240x128xf32, #tpu.memory_space<vmem_shared>>)
        tpu.yield
      }) : () -> ()
      %scan3A_74 = arith.constant 0 : i32
      scf.yield %scan3A_74 : i32
    }
    %scan3A_25 = arith.constant 80 : i32
    %barrier3A_26 = arith.constant 0 : index
    tpu.barrier barrier_id(%barrier3A_26)
    %add3A_27 = arith.constant 0 : i32
    %add3A_28 = arith.addi %mul3A_8, %add3A_27 : i32
    "tpu.region"() ({
      %run_scoped3A = tpu.sem_alloc : memref<!tpu.dma_semaphore, #tpu.memory_space<semaphore_mem>>
      %dma_start3A = arith.constant 0 : i32
      %dma_start3A_62 = tpu.memref_slice %arg6[%add3A_28, %dma_start3A] : memref<10240x128xf32, #tpu.memory_space<vmem_shared>> -> memref<128x128xf32, #tpu.memory_space<vmem_shared>>
      %dma_start3A_63 = arith.constant 0 : i32
      %dma_start3A_64 = tpu.memref_slice %arg6[%add3A_28, %dma_start3A_63] : memref<10240x128xf32, #tpu.memory_space<vmem_shared>> -> memref<128x128xf32, #tpu.memory_space<vmem_shared>>
      tpu.enqueue_dma source(%dma_start3A_64 : memref<128x128xf32, #tpu.memory_space<vmem_shared>>) target(%arg9 : memref<128x128xf32, #tpu.memory_space<vmem>>) target_semaphore(%run_scoped3A : memref<!tpu.dma_semaphore, #tpu.memory_space<semaphore_mem>>)
      %dma_wait3A = arith.constant 0 : i32
      %dma_wait3A_65 = tpu.memref_slice %arg6[%add3A_28, %dma_wait3A] : memref<10240x128xf32, #tpu.memory_space<vmem_shared>> -> memref<128x128xf32, #tpu.memory_space<vmem_shared>>
      %dma_wait3A_66 = arith.constant 0 : i32
      %dma_wait3A_67 = tpu.memref_slice %arg6[%add3A_28, %dma_wait3A_66] : memref<10240x128xf32, #tpu.memory_space<vmem_shared>> -> memref<128x128xf32, #tpu.memory_space<vmem_shared>>
      tpu.wait_dma2 semaphore(%run_scoped3A : memref<!tpu.dma_semaphore, #tpu.memory_space<semaphore_mem>>) src(%dma_wait3A_67 : memref<128x128xf32, #tpu.memory_space<vmem_shared>>) dst(%arg9 : memref<128x128xf32, #tpu.memory_space<vmem>>)
      tpu.yield
    }) : () -> ()
    %mul3A_29 = arith.constant 10240 : i32
    %mul3A_30 = arith.muli %arg0, %mul3A_29 : i32
    %add3A_31 = arith.addi %mul3A_30, %mul3A_8 : i32
    %add3A_32 = arith.constant 0 : i32
    %add3A_33 = arith.addi %add3A_31, %add3A_32 : i32
    "tpu.region"() ({
      %run_scoped3A = tpu.sem_alloc : memref<!tpu.dma_semaphore, #tpu.memory_space<semaphore_mem>>
      %dma_start3A = arith.constant 0 : i32
      %dma_start3A_62 = tpu.memref_slice %arg5[%add3A_33, %dma_start3A] : memref<20480x128xf32, #tpu.memory_space<hbm>> -> memref<128x128xf32, #tpu.memory_space<hbm>>
      %dma_start3A_63 = arith.constant 0 : i32
      %dma_start3A_64 = tpu.memref_slice %arg5[%add3A_33, %dma_start3A_63] : memref<20480x128xf32, #tpu.memory_space<hbm>> -> memref<128x128xf32, #tpu.memory_space<hbm>>
      tpu.enqueue_dma source(%arg9 : memref<128x128xf32, #tpu.memory_space<vmem>>) target(%dma_start3A_64 : memref<128x128xf32, #tpu.memory_space<hbm>>) target_semaphore(%run_scoped3A : memref<!tpu.dma_semaphore, #tpu.memory_space<semaphore_mem>>)
      %dma_wait3A = arith.constant 0 : i32
      %dma_wait3A_65 = tpu.memref_slice %arg5[%add3A_33, %dma_wait3A] : memref<20480x128xf32, #tpu.memory_space<hbm>> -> memref<128x128xf32, #tpu.memory_space<hbm>>
      %dma_wait3A_66 = arith.constant 0 : i32
      %dma_wait3A_67 = tpu.memref_slice %arg5[%add3A_33, %dma_wait3A_66] : memref<20480x128xf32, #tpu.memory_space<hbm>> -> memref<128x128xf32, #tpu.memory_space<hbm>>
      tpu.wait_dma2 semaphore(%run_scoped3A : memref<!tpu.dma_semaphore, #tpu.memory_space<semaphore_mem>>) src(%arg9 : memref<128x128xf32, #tpu.memory_space<vmem>>) dst(%dma_wait3A_67 : memref<128x128xf32, #tpu.memory_space<hbm>>)
      tpu.yield
    }) : () -> ()
    %add3A_34 = arith.constant 128 : i32
    %add3A_35 = arith.addi %mul3A_8, %add3A_34 : i32
    "tpu.region"() ({
      %run_scoped3A = tpu.sem_alloc : memref<!tpu.dma_semaphore, #tpu.memory_space<semaphore_mem>>
      %dma_start3A = arith.constant 0 : i32
      %dma_start3A_62 = tpu.memref_slice %arg6[%add3A_35, %dma_start3A] : memref<10240x128xf32, #tpu.memory_space<vmem_shared>> -> memref<128x128xf32, #tpu.memory_space<vmem_shared>>
      %dma_start3A_63 = arith.constant 0 : i32
      %dma_start3A_64 = tpu.memref_slice %arg6[%add3A_35, %dma_start3A_63] : memref<10240x128xf32, #tpu.memory_space<vmem_shared>> -> memref<128x128xf32, #tpu.memory_space<vmem_shared>>
      tpu.enqueue_dma source(%dma_start3A_64 : memref<128x128xf32, #tpu.memory_space<vmem_shared>>) target(%arg9 : memref<128x128xf32, #tpu.memory_space<vmem>>) target_semaphore(%run_scoped3A : memref<!tpu.dma_semaphore, #tpu.memory_space<semaphore_mem>>)
      %dma_wait3A = arith.constant 0 : i32
      %dma_wait3A_65 = tpu.memref_slice %arg6[%add3A_35, %dma_wait3A] : memref<10240x128xf32, #tpu.memory_space<vmem_shared>> -> memref<128x128xf32, #tpu.memory_space<vmem_shared>>
      %dma_wait3A_66 = arith.constant 0 : i32
      %dma_wait3A_67 = tpu.memref_slice %arg6[%add3A_35, %dma_wait3A_66] : memref<10240x128xf32, #tpu.memory_space<vmem_shared>> -> memref<128x128xf32, #tpu.memory_space<vmem_shared>>
      tpu.wait_dma2 semaphore(%run_scoped3A : memref<!tpu.dma_semaphore, #tpu.memory_space<semaphore_mem>>) src(%dma_wait3A_67 : memref<128x128xf32, #tpu.memory_space<vmem_shared>>) dst(%arg9 : memref<128x128xf32, #tpu.memory_space<vmem>>)
      tpu.yield
    }) : () -> ()
    %mul3A_36 = arith.constant 10240 : i32
    %mul3A_37 = arith.muli %arg0, %mul3A_36 : i32
    %add3A_38 = arith.addi %mul3A_37, %mul3A_8 : i32
    %add3A_39 = arith.constant 128 : i32
    %add3A_40 = arith.addi %add3A_38, %add3A_39 : i32
    "tpu.region"() ({
      %run_scoped3A = tpu.sem_alloc : memref<!tpu.dma_semaphore, #tpu.memory_space<semaphore_mem>>
      %dma_start3A = arith.constant 0 : i32
      %dma_start3A_62 = tpu.memref_slice %arg5[%add3A_40, %dma_start3A] : memref<20480x128xf32, #tpu.memory_space<hbm>> -> memref<128x128xf32, #tpu.memory_space<hbm>>
      %dma_start3A_63 = arith.constant 0 : i32
      %dma_start3A_64 = tpu.memref_slice %arg5[%add3A_40, %dma_start3A_63] : memref<20480x128xf32, #tpu.memory_space<hbm>> -> memref<128x128xf32, #tpu.memory_space<hbm>>
      tpu.enqueue_dma source(%arg9 : memref<128x128xf32, #tpu.memory_space<vmem>>) target(%dma_start3A_64 : memref<128x128xf32, #tpu.memory_space<hbm>>) target_semaphore(%run_scoped3A : memref<!tpu.dma_semaphore, #tpu.memory_space<semaphore_mem>>)
      %dma_wait3A = arith.constant 0 : i32
      %dma_wait3A_65 = tpu.memref_slice %arg5[%add3A_40, %dma_wait3A] : memref<20480x128xf32, #tpu.memory_space<hbm>> -> memref<128x128xf32, #tpu.memory_space<hbm>>
      %dma_wait3A_66 = arith.constant 0 : i32
      %dma_wait3A_67 = tpu.memref_slice %arg5[%add3A_40, %dma_wait3A_66] : memref<20480x128xf32, #tpu.memory_space<hbm>> -> memref<128x128xf32, #tpu.memory_space<hbm>>
      tpu.wait_dma2 semaphore(%run_scoped3A : memref<!tpu.dma_semaphore, #tpu.memory_space<semaphore_mem>>) src(%arg9 : memref<128x128xf32, #tpu.memory_space<vmem>>) dst(%dma_wait3A_67 : memref<128x128xf32, #tpu.memory_space<hbm>>)
      tpu.yield
    }) : () -> ()
    %add3A_41 = arith.constant 256 : i32
    %add3A_42 = arith.addi %mul3A_8, %add3A_41 : i32
    "tpu.region"() ({
      %run_scoped3A = tpu.sem_alloc : memref<!tpu.dma_semaphore, #tpu.memory_space<semaphore_mem>>
      %dma_start3A = arith.constant 0 : i32
      %dma_start3A_62 = tpu.memref_slice %arg6[%add3A_42, %dma_start3A] : memref<10240x128xf32, #tpu.memory_space<vmem_shared>> -> memref<128x128xf32, #tpu.memory_space<vmem_shared>>
      %dma_start3A_63 = arith.constant 0 : i32
      %dma_start3A_64 = tpu.memref_slice %arg6[%add3A_42, %dma_start3A_63] : memref<10240x128xf32, #tpu.memory_space<vmem_shared>> -> memref<128x128xf32, #tpu.memory_space<vmem_shared>>
      tpu.enqueue_dma source(%dma_start3A_64 : memref<128x128xf32, #tpu.memory_space<vmem_shared>>) target(%arg9 : memref<128x128xf32, #tpu.memory_space<vmem>>) target_semaphore(%run_scoped3A : memref<!tpu.dma_semaphore, #tpu.memory_space<semaphore_mem>>)
      %dma_wait3A = arith.constant 0 : i32
      %dma_wait3A_65 = tpu.memref_slice %arg6[%add3A_42, %dma_wait3A] : memref<10240x128xf32, #tpu.memory_space<vmem_shared>> -> memref<128x128xf32, #tpu.memory_space<vmem_shared>>
      %dma_wait3A_66 = arith.constant 0 : i32
      %dma_wait3A_67 = tpu.memref_slice %arg6[%add3A_42, %dma_wait3A_66] : memref<10240x128xf32, #tpu.memory_space<vmem_shared>> -> memref<128x128xf32, #tpu.memory_space<vmem_shared>>
      tpu.wait_dma2 semaphore(%run_scoped3A : memref<!tpu.dma_semaphore, #tpu.memory_space<semaphore_mem>>) src(%dma_wait3A_67 : memref<128x128xf32, #tpu.memory_space<vmem_shared>>) dst(%arg9 : memref<128x128xf32, #tpu.memory_space<vmem>>)
      tpu.yield
    }) : () -> ()
    %mul3A_43 = arith.constant 10240 : i32
    %mul3A_44 = arith.muli %arg0, %mul3A_43 : i32
    %add3A_45 = arith.addi %mul3A_44, %mul3A_8 : i32
    %add3A_46 = arith.constant 256 : i32
    %add3A_47 = arith.addi %add3A_45, %add3A_46 : i32
    "tpu.region"() ({
      %run_scoped3A = tpu.sem_alloc : memref<!tpu.dma_semaphore, #tpu.memory_space<semaphore_mem>>
      %dma_start3A = arith.constant 0 : i32
      %dma_start3A_62 = tpu.memref_slice %arg5[%add3A_47, %dma_start3A] : memref<20480x128xf32, #tpu.memory_space<hbm>> -> memref<128x128xf32, #tpu.memory_space<hbm>>
      %dma_start3A_63 = arith.constant 0 : i32
      %dma_start3A_64 = tpu.memref_slice %arg5[%add3A_47, %dma_start3A_63] : memref<20480x128xf32, #tpu.memory_space<hbm>> -> memref<128x128xf32, #tpu.memory_space<hbm>>
      tpu.enqueue_dma source(%arg9 : memref<128x128xf32, #tpu.memory_space<vmem>>) target(%dma_start3A_64 : memref<128x128xf32, #tpu.memory_space<hbm>>) target_semaphore(%run_scoped3A : memref<!tpu.dma_semaphore, #tpu.memory_space<semaphore_mem>>)
      %dma_wait3A = arith.constant 0 : i32
      %dma_wait3A_65 = tpu.memref_slice %arg5[%add3A_47, %dma_wait3A] : memref<20480x128xf32, #tpu.memory_space<hbm>> -> memref<128x128xf32, #tpu.memory_space<hbm>>
      %dma_wait3A_66 = arith.constant 0 : i32
      %dma_wait3A_67 = tpu.memref_slice %arg5[%add3A_47, %dma_wait3A_66] : memref<20480x128xf32, #tpu.memory_space<hbm>> -> memref<128x128xf32, #tpu.memory_space<hbm>>
      tpu.wait_dma2 semaphore(%run_scoped3A : memref<!tpu.dma_semaphore, #tpu.memory_space<semaphore_mem>>) src(%arg9 : memref<128x128xf32, #tpu.memory_space<vmem>>) dst(%dma_wait3A_67 : memref<128x128xf32, #tpu.memory_space<hbm>>)
      tpu.yield
    }) : () -> ()
    %add3A_48 = arith.constant 384 : i32
    %add3A_49 = arith.addi %mul3A_8, %add3A_48 : i32
    "tpu.region"() ({
      %run_scoped3A = tpu.sem_alloc : memref<!tpu.dma_semaphore, #tpu.memory_space<semaphore_mem>>
      %dma_start3A = arith.constant 0 : i32
      %dma_start3A_62 = tpu.memref_slice %arg6[%add3A_49, %dma_start3A] : memref<10240x128xf32, #tpu.memory_space<vmem_shared>> -> memref<128x128xf32, #tpu.memory_space<vmem_shared>>
      %dma_start3A_63 = arith.constant 0 : i32
      %dma_start3A_64 = tpu.memref_slice %arg6[%add3A_49, %dma_start3A_63] : memref<10240x128xf32, #tpu.memory_space<vmem_shared>> -> memref<128x128xf32, #tpu.memory_space<vmem_shared>>
      tpu.enqueue_dma source(%dma_start3A_64 : memref<128x128xf32, #tpu.memory_space<vmem_shared>>) target(%arg9 : memref<128x128xf32, #tpu.memory_space<vmem>>) target_semaphore(%run_scoped3A : memref<!tpu.dma_semaphore, #tpu.memory_space<semaphore_mem>>)
      %dma_wait3A = arith.constant 0 : i32
      %dma_wait3A_65 = tpu.memref_slice %arg6[%add3A_49, %dma_wait3A] : memref<10240x128xf32, #tpu.memory_space<vmem_shared>> -> memref<128x128xf32, #tpu.memory_space<vmem_shared>>
      %dma_wait3A_66 = arith.constant 0 : i32
      %dma_wait3A_67 = tpu.memref_slice %arg6[%add3A_49, %dma_wait3A_66] : memref<10240x128xf32, #tpu.memory_space<vmem_shared>> -> memref<128x128xf32, #tpu.memory_space<vmem_shared>>
      tpu.wait_dma2 semaphore(%run_scoped3A : memref<!tpu.dma_semaphore, #tpu.memory_space<semaphore_mem>>) src(%dma_wait3A_67 : memref<128x128xf32, #tpu.memory_space<vmem_shared>>) dst(%arg9 : memref<128x128xf32, #tpu.memory_space<vmem>>)
      tpu.yield
    }) : () -> ()
    %mul3A_50 = arith.constant 10240 : i32
    %mul3A_51 = arith.muli %arg0, %mul3A_50 : i32
    %add3A_52 = arith.addi %mul3A_51, %mul3A_8 : i32
    %add3A_53 = arith.constant 384 : i32
    %add3A_54 = arith.addi %add3A_52, %add3A_53 : i32
    "tpu.region"() ({
      %run_scoped3A = tpu.sem_alloc : memref<!tpu.dma_semaphore, #tpu.memory_space<semaphore_mem>>
      %dma_start3A = arith.constant 0 : i32
      %dma_start3A_62 = tpu.memref_slice %arg5[%add3A_54, %dma_start3A] : memref<20480x128xf32, #tpu.memory_space<hbm>> -> memref<128x128xf32, #tpu.memory_space<hbm>>
      %dma_start3A_63 = arith.constant 0 : i32
      %dma_start3A_64 = tpu.memref_slice %arg5[%add3A_54, %dma_start3A_63] : memref<20480x128xf32, #tpu.memory_space<hbm>> -> memref<128x128xf32, #tpu.memory_space<hbm>>
      tpu.enqueue_dma source(%arg9 : memref<128x128xf32, #tpu.memory_space<vmem>>) target(%dma_start3A_64 : memref<128x128xf32, #tpu.memory_space<hbm>>) target_semaphore(%run_scoped3A : memref<!tpu.dma_semaphore, #tpu.memory_space<semaphore_mem>>)
      %dma_wait3A = arith.constant 0 : i32
      %dma_wait3A_65 = tpu.memref_slice %arg5[%add3A_54, %dma_wait3A] : memref<20480x128xf32, #tpu.memory_space<hbm>> -> memref<128x128xf32, #tpu.memory_space<hbm>>
      %dma_wait3A_66 = arith.constant 0 : i32
      %dma_wait3A_67 = tpu.memref_slice %arg5[%add3A_54, %dma_wait3A_66] : memref<20480x128xf32, #tpu.memory_space<hbm>> -> memref<128x128xf32, #tpu.memory_space<hbm>>
      tpu.wait_dma2 semaphore(%run_scoped3A : memref<!tpu.dma_semaphore, #tpu.memory_space<semaphore_mem>>) src(%arg9 : memref<128x128xf32, #tpu.memory_space<vmem>>) dst(%dma_wait3A_67 : memref<128x128xf32, #tpu.memory_space<hbm>>)
      tpu.yield
    }) : () -> ()
    %add3A_55 = arith.constant 512 : i32
    %add3A_56 = arith.addi %mul3A_8, %add3A_55 : i32
    "tpu.region"() ({
      %run_scoped3A = tpu.sem_alloc : memref<!tpu.dma_semaphore, #tpu.memory_space<semaphore_mem>>
      %dma_start3A = arith.constant 0 : i32
      %dma_start3A_62 = tpu.memref_slice %arg6[%add3A_56, %dma_start3A] : memref<10240x128xf32, #tpu.memory_space<vmem_shared>> -> memref<128x128xf32, #tpu.memory_space<vmem_shared>>
      %dma_start3A_63 = arith.constant 0 : i32
      %dma_start3A_64 = tpu.memref_slice %arg6[%add3A_56, %dma_start3A_63] : memref<10240x128xf32, #tpu.memory_space<vmem_shared>> -> memref<128x128xf32, #tpu.memory_space<vmem_shared>>
      tpu.enqueue_dma source(%dma_start3A_64 : memref<128x128xf32, #tpu.memory_space<vmem_shared>>) target(%arg9 : memref<128x128xf32, #tpu.memory_space<vmem>>) target_semaphore(%run_scoped3A : memref<!tpu.dma_semaphore, #tpu.memory_space<semaphore_mem>>)
      %dma_wait3A = arith.constant 0 : i32
      %dma_wait3A_65 = tpu.memref_slice %arg6[%add3A_56, %dma_wait3A] : memref<10240x128xf32, #tpu.memory_space<vmem_shared>> -> memref<128x128xf32, #tpu.memory_space<vmem_shared>>
      %dma_wait3A_66 = arith.constant 0 : i32
      %dma_wait3A_67 = tpu.memref_slice %arg6[%add3A_56, %dma_wait3A_66] : memref<10240x128xf32, #tpu.memory_space<vmem_shared>> -> memref<128x128xf32, #tpu.memory_space<vmem_shared>>
      tpu.wait_dma2 semaphore(%run_scoped3A : memref<!tpu.dma_semaphore, #tpu.memory_space<semaphore_mem>>) src(%dma_wait3A_67 : memref<128x128xf32, #tpu.memory_space<vmem_shared>>) dst(%arg9 : memref<128x128xf32, #tpu.memory_space<vmem>>)
      tpu.yield
    }) : () -> ()
    %mul3A_57 = arith.constant 10240 : i32
    %mul3A_58 = arith.muli %arg0, %mul3A_57 : i32
    %add3A_59 = arith.addi %mul3A_58, %mul3A_8 : i32
    %add3A_60 = arith.constant 512 : i32
    %add3A_61 = arith.addi %add3A_59, %add3A_60 : i32
    "tpu.region"() ({
      %run_scoped3A = tpu.sem_alloc : memref<!tpu.dma_semaphore, #tpu.memory_space<semaphore_mem>>
      %dma_start3A = arith.constant 0 : i32
      %dma_start3A_62 = tpu.memref_slice %arg5[%add3A_61, %dma_start3A] : memref<20480x128xf32, #tpu.memory_space<hbm>> -> memref<128x128xf32, #tpu.memory_space<hbm>>
      %dma_start3A_63 = arith.constant 0 : i32
      %dma_start3A_64 = tpu.memref_slice %arg5[%add3A_61, %dma_start3A_63] : memref<20480x128xf32, #tpu.memory_space<hbm>> -> memref<128x128xf32, #tpu.memory_space<hbm>>
      tpu.enqueue_dma source(%arg9 : memref<128x128xf32, #tpu.memory_space<vmem>>) target(%dma_start3A_64 : memref<128x128xf32, #tpu.memory_space<hbm>>) target_semaphore(%run_scoped3A : memref<!tpu.dma_semaphore, #tpu.memory_space<semaphore_mem>>)
      %dma_wait3A = arith.constant 0 : i32
      %dma_wait3A_65 = tpu.memref_slice %arg5[%add3A_61, %dma_wait3A] : memref<20480x128xf32, #tpu.memory_space<hbm>> -> memref<128x128xf32, #tpu.memory_space<hbm>>
      %dma_wait3A_66 = arith.constant 0 : i32
      %dma_wait3A_67 = tpu.memref_slice %arg5[%add3A_61, %dma_wait3A_66] : memref<20480x128xf32, #tpu.memory_space<hbm>> -> memref<128x128xf32, #tpu.memory_space<hbm>>
      tpu.wait_dma2 semaphore(%run_scoped3A : memref<!tpu.dma_semaphore, #tpu.memory_space<semaphore_mem>>) src(%arg9 : memref<128x128xf32, #tpu.memory_space<vmem>>) dst(%dma_wait3A_67 : memref<128x128xf32, #tpu.memory_space<hbm>>)
      tpu.yield
    }) : () -> ()
    return
  }
}

module attributes {stable_mosaic.version = 14 : i64} {
  func.func @_z1_body(%arg0: i32, %arg1: memref<2048x128xf32, #tpu.memory_space<vmem>>, %arg2: memref<128x128xf32, #tpu.memory_space<vmem>>, %arg3: memref<2x2048x128xf32, #tpu.memory_space<vmem>>, %arg4: memref<2048x128xf32, #tpu.memory_space<vmem>>) attributes {dimension_semantics = [#tpu.dimension_semantics<arbitrary>], iteration_bounds = array<i64: 5>, scalar_prefetch = 0 : i64, scratch_operands = 0 : i64, tpu.core_type = #tpu.core_type<tc>, window_params = [{transform_indices = @transform_0, window_bounds = array<i64: 2048, 128>}, {pipeline_mode = #tpu.pipeline_mode<synchronous>, transform_indices = @transform_1, window_bounds = array<i64: 128, 128>}, {transform_indices = @transform_2, window_bounds = array<i64: 2, 2048, 128>}, {transform_indices = @transform_3, window_bounds = array<i64: 2048, 128>}]} {
    %get3A = arith.constant 0 : index
    %get3A_0 = arith.constant 0 : index
    %get3A_1 = arith.constant 0 : index
    %get3A_2 = vector.load %arg3[%get3A, %get3A_0, %get3A_1] : memref<2x2048x128xf32, #tpu.memory_space<vmem>>, vector<1x2048x1xf32>
    %get3A_3 = vector.shape_cast %get3A_2 : vector<1x2048x1xf32> to vector<2048x1xf32>
    %get3A_4 = arith.constant 1 : index
    %get3A_5 = arith.constant 0 : index
    %get3A_6 = arith.constant 0 : index
    %get3A_7 = vector.load %arg3[%get3A_4, %get3A_5, %get3A_6] : memref<2x2048x128xf32, #tpu.memory_space<vmem>>, vector<1x2048x1xf32>
    %get3A_8 = vector.shape_cast %get3A_7 : vector<1x2048x1xf32> to vector<2048x1xf32>
    %add3A = arith.addf %get3A_3, %get3A_8 : vector<2048x1xf32>
    %add3A_9 = arith.constant 1.000000e+00 : f32
    %add3A_10 = vector.broadcast %add3A_9 : f32 to vector<2048x1xf32>
    %add3A_11 = arith.addf %add3A, %add3A_10 : vector<2048x1xf32>
    %rsqrt3A = math.rsqrt %add3A_11 : vector<2048x1xf32>
    %get3A_12 = arith.constant 0 : index
    %get3A_13 = arith.constant 0 : index
    %get3A_14 = vector.load %arg1[%get3A_12, %get3A_13] : memref<2048x128xf32, #tpu.memory_space<vmem>>, vector<2048x128xf32>
    %get3A_15 = arith.constant 0 : index
    %get3A_16 = arith.constant 0 : index
    %get3A_17 = vector.load %arg2[%get3A_15, %get3A_16] : memref<128x128xf32, #tpu.memory_space<vmem>>, vector<128x128xf32>
    %dot_general3A = arith.constant dense<0.000000e+00> : vector<2048x128xf32>
    %dot_general3A_18 = tpu.matmul %get3A_14, %get3A_17, %dot_general3A {dimension_numbers = #tpu.dot_dimension_numbers<[1], [0], [0], [1], [0, 0, 1, 1], [], []>, transpose_lhs_hint = false} : vector<2048x128xf32>, vector<128x128xf32>, vector<2048x128xf32> -> vector<2048x128xf32>
    %mul3A = vector.broadcast %rsqrt3A : vector<2048x1xf32> to vector<2048x128xf32>
    %mul3A_19 = arith.mulf %dot_general3A_18, %mul3A : vector<2048x128xf32>
    %swap3A = arith.constant 0 : index
    %swap3A_20 = arith.constant 0 : index
    %swap3A_21 = vector.load %arg4[%swap3A, %swap3A_20] : memref<2048x128xf32, #tpu.memory_space<vmem>>, vector<2048x128xf32>
    tpu.vector_store %arg4[%swap3A, %swap3A_20], %mul3A_19 {strides = array<i32>} : memref<2048x128xf32, #tpu.memory_space<vmem>>, vector<2048x128xf32>,
    return
  }
  func.func @transform_0(%arg0: i32) -> (i32, i32) {
    %c0_i32 = arith.constant 0 : i32
    %c0_i32_0 = arith.constant 0 : i32
    return %arg0, %c0_i32 : i32, i32
  }
  func.func @transform_1(%arg0: i32) -> (i32, i32) {
    %c0_i32 = arith.constant 0 : i32
    %c0_i32_0 = arith.constant 0 : i32
    %c0_i32_1 = arith.constant 0 : i32
    return %c0_i32, %c0_i32_0 : i32, i32
  }
  func.func @transform_2(%arg0: i32) -> (i32, i32, i32) {
    %c0_i32 = arith.constant 0 : i32
    %c0_i32_0 = arith.constant 0 : i32
    %c0_i32_1 = arith.constant 0 : i32
    return %c0_i32, %arg0, %c0_i32_0 : i32, i32, i32
  }
  func.func @transform_3(%arg0: i32) -> (i32, i32) {
    %c0_i32 = arith.constant 0 : i32
    %c0_i32_0 = arith.constant 0 : i32
    return %arg0, %c0_i32 : i32, i32
  }
}

module attributes {stable_mosaic.version = 14 : i64} {
  func.func @_mid_body(%arg0: i32, %arg1: memref<2x2048x128xf32, #tpu.memory_space<vmem>>, %arg2: memref<2048x128xf32, #tpu.memory_space<vmem>>, %arg3: memref<2x2048x128xf32, #tpu.memory_space<vmem>>, %arg4: memref<1x128xf32, #tpu.memory_space<vmem>>, %arg5: memref<128x128xf32, #tpu.memory_space<vmem>>, %arg6: memref<2048x128xf32, #tpu.memory_space<vmem>>) attributes {dimension_semantics = [#tpu.dimension_semantics<arbitrary>], iteration_bounds = array<i64: 5>, scalar_prefetch = 0 : i64, scratch_operands = 0 : i64, tpu.core_type = #tpu.core_type<tc>, window_params = [{transform_indices = @transform_0, window_bounds = array<i64: 2, 2048, 128>}, {transform_indices = @transform_1, window_bounds = array<i64: 2048, 128>}, {transform_indices = @transform_2, window_bounds = array<i64: 2, 2048, 128>}, {pipeline_mode = #tpu.pipeline_mode<synchronous>, transform_indices = @transform_3, window_bounds = array<i64: 1, 128>}, {pipeline_mode = #tpu.pipeline_mode<synchronous>, transform_indices = @transform_4, window_bounds = array<i64: 128, 128>}, {transform_indices = @transform_5, window_bounds = array<i64: 2048, 128>}]} {
    %get3A = arith.constant 0 : index
    %get3A_0 = arith.constant 0 : index
    %get3A_1 = arith.constant 0 : index
    %get3A_2 = vector.load %arg3[%get3A, %get3A_0, %get3A_1] : memref<2x2048x128xf32, #tpu.memory_space<vmem>>, vector<1x2048x1xf32>
    %get3A_3 = vector.shape_cast %get3A_2 : vector<1x2048x1xf32> to vector<2048x1xf32>
    %get3A_4 = arith.constant 1 : index
    %get3A_5 = arith.constant 0 : index
    %get3A_6 = arith.constant 0 : index
    %get3A_7 = vector.load %arg3[%get3A_4, %get3A_5, %get3A_6] : memref<2x2048x128xf32, #tpu.memory_space<vmem>>, vector<1x2048x1xf32>
    %get3A_8 = vector.shape_cast %get3A_7 : vector<1x2048x1xf32> to vector<2048x1xf32>
    %add3A = arith.addf %get3A_3, %get3A_8 : vector<2048x1xf32>
    %add3A_9 = arith.constant 1.000000e+00 : f32
    %add3A_10 = vector.broadcast %add3A_9 : f32 to vector<2048x1xf32>
    %add3A_11 = arith.addf %add3A, %add3A_10 : vector<2048x1xf32>
    %rsqrt3A = math.rsqrt %add3A_11 : vector<2048x1xf32>
    %get3A_12 = arith.constant 0 : index
    %get3A_13 = arith.constant 0 : index
    %get3A_14 = arith.constant 0 : index
    %get3A_15 = vector.load %arg1[%get3A_12, %get3A_13, %get3A_14] : memref<2x2048x128xf32, #tpu.memory_space<vmem>>, vector<1x2048x128xf32>
    %get3A_16 = vector.shape_cast %get3A_15 : vector<1x2048x128xf32> to vector<2048x128xf32>
    %get3A_17 = arith.constant 1 : index
    %get3A_18 = arith.constant 0 : index
    %get3A_19 = arith.constant 0 : index
    %get3A_20 = vector.load %arg1[%get3A_17, %get3A_18, %get3A_19] : memref<2x2048x128xf32, #tpu.memory_space<vmem>>, vector<1x2048x128xf32>
    %get3A_21 = vector.shape_cast %get3A_20 : vector<1x2048x128xf32> to vector<2048x128xf32>
    %add3A_22 = arith.addf %get3A_16, %get3A_21 : vector<2048x128xf32>
    %get3A_23 = arith.constant 0 : index
    %get3A_24 = arith.constant 0 : index
    %get3A_25 = vector.load %arg2[%get3A_23, %get3A_24] : memref<2048x128xf32, #tpu.memory_space<vmem>>, vector<2048x128xf32>
    %add3A_26 = arith.addf %add3A_22, %get3A_25 : vector<2048x128xf32>
    %mul3A = vector.broadcast %rsqrt3A : vector<2048x1xf32> to vector<2048x128xf32>
    %mul3A_27 = arith.mulf %add3A_26, %mul3A : vector<2048x128xf32>
    %get3A_28 = arith.constant 0 : index
    %get3A_29 = arith.constant 0 : index
    %get3A_30 = vector.load %arg4[%get3A_28, %get3A_29] : memref<1x128xf32, #tpu.memory_space<vmem>>, vector<1x128xf32>
    %add3A_31 = vector.broadcast %get3A_30 : vector<1x128xf32> to vector<2048x128xf32>
    %add3A_32 = arith.addf %mul3A_27, %add3A_31 : vector<2048x128xf32>
    %max3A = arith.constant 0.000000e+00 : f32
    %max3A_33 = vector.broadcast %max3A : f32 to vector<2048x128xf32>
    %max3A_34 = arith.maximumf %add3A_32, %max3A_33 : vector<2048x128xf32>
    %get3A_35 = arith.constant 0 : index
    %get3A_36 = arith.constant 0 : index
    %get3A_37 = vector.load %arg5[%get3A_35, %get3A_36] : memref<128x128xf32, #tpu.memory_space<vmem>>, vector<128x128xf32>
    %dot_general3A = arith.constant dense<0.000000e+00> : vector<2048x128xf32>
    %dot_general3A_38 = tpu.matmul %max3A_34, %get3A_37, %dot_general3A {dimension_numbers = #tpu.dot_dimension_numbers<[1], [0], [0], [1], [0, 0, 1, 1], [], []>, transpose_lhs_hint = false} : vector<2048x128xf32>, vector<128x128xf32>, vector<2048x128xf32> -> vector<2048x128xf32>
    %mul3A_39 = vector.broadcast %rsqrt3A : vector<2048x1xf32> to vector<2048x128xf32>
    %mul3A_40 = arith.mulf %dot_general3A_38, %mul3A_39 : vector<2048x128xf32>
    %swap3A = arith.constant 0 : index
    %swap3A_41 = arith.constant 0 : index
    %swap3A_42 = vector.load %arg6[%swap3A, %swap3A_41] : memref<2048x128xf32, #tpu.memory_space<vmem>>, vector<2048x128xf32>
    tpu.vector_store %arg6[%swap3A, %swap3A_41], %mul3A_40 {strides = array<i32>} : memref<2048x128xf32, #tpu.memory_space<vmem>>, vector<2048x128xf32>,
    return
  }
  func.func @transform_0(%arg0: i32) -> (i32, i32, i32) {
    %c0_i32 = arith.constant 0 : i32
    %c0_i32_0 = arith.constant 0 : i32
    %c0_i32_1 = arith.constant 0 : i32
    return %c0_i32, %arg0, %c0_i32_0 : i32, i32, i32
  }
  func.func @transform_1(%arg0: i32) -> (i32, i32) {
    %c0_i32 = arith.constant 0 : i32
    %c0_i32_0 = arith.constant 0 : i32
    return %arg0, %c0_i32 : i32, i32
  }
  func.func @transform_2(%arg0: i32) -> (i32, i32, i32) {
    %c0_i32 = arith.constant 0 : i32
    %c0_i32_0 = arith.constant 0 : i32
    %c0_i32_1 = arith.constant 0 : i32
    return %c0_i32, %arg0, %c0_i32_0 : i32, i32, i32
  }
  func.func @transform_3(%arg0: i32) -> (i32, i32) {
    %c0_i32 = arith.constant 0 : i32
    %c0_i32_0 = arith.constant 0 : i32
    %c0_i32_1 = arith.constant 0 : i32
    return %c0_i32, %c0_i32_0 : i32, i32
  }
  func.func @transform_4(%arg0: i32) -> (i32, i32) {
    %c0_i32 = arith.constant 0 : i32
    %c0_i32_0 = arith.constant 0 : i32
    %c0_i32_1 = arith.constant 0 : i32
    return %c0_i32, %c0_i32_0 : i32, i32
  }
  func.func @transform_5(%arg0: i32) -> (i32, i32) {
    %c0_i32 = arith.constant 0 : i32
    %c0_i32_0 = arith.constant 0 : i32
    return %arg0, %c0_i32 : i32, i32
  }
}

module attributes {stable_mosaic.version = 14 : i64} {
  func.func @_out_body(%arg0: i32, %arg1: memref<2x2048x128xf32, #tpu.memory_space<vmem>>, %arg2: memref<2048x128xf32, #tpu.memory_space<vmem>>, %arg3: memref<2x2048x128xf32, #tpu.memory_space<vmem>>, %arg4: memref<1x64xf32, #tpu.memory_space<vmem>>, %arg5: memref<2048x64xf32, #tpu.memory_space<vmem>>) attributes {dimension_semantics = [#tpu.dimension_semantics<arbitrary>], iteration_bounds = array<i64: 5>, scalar_prefetch = 0 : i64, scratch_operands = 0 : i64, tpu.core_type = #tpu.core_type<tc>, window_params = [{transform_indices = @transform_0, window_bounds = array<i64: 2, 2048, 128>}, {transform_indices = @transform_1, window_bounds = array<i64: 2048, 128>}, {transform_indices = @transform_2, window_bounds = array<i64: 2, 2048, 128>}, {pipeline_mode = #tpu.pipeline_mode<synchronous>, transform_indices = @transform_3, window_bounds = array<i64: 1, 64>}, {transform_indices = @transform_4, window_bounds = array<i64: 2048, 64>}]} {
    %get3A = arith.constant 0 : index
    %get3A_0 = arith.constant 0 : index
    %get3A_1 = arith.constant 0 : index
    %get3A_2 = vector.load %arg3[%get3A, %get3A_0, %get3A_1] : memref<2x2048x128xf32, #tpu.memory_space<vmem>>, vector<1x2048x1xf32>
    %get3A_3 = vector.shape_cast %get3A_2 : vector<1x2048x1xf32> to vector<2048x1xf32>
    %get3A_4 = arith.constant 1 : index
    %get3A_5 = arith.constant 0 : index
    %get3A_6 = arith.constant 0 : index
    %get3A_7 = vector.load %arg3[%get3A_4, %get3A_5, %get3A_6] : memref<2x2048x128xf32, #tpu.memory_space<vmem>>, vector<1x2048x1xf32>
    %get3A_8 = vector.shape_cast %get3A_7 : vector<1x2048x1xf32> to vector<2048x1xf32>
    %add3A = arith.addf %get3A_3, %get3A_8 : vector<2048x1xf32>
    %add3A_9 = arith.constant 1.000000e+00 : f32
    %add3A_10 = vector.broadcast %add3A_9 : f32 to vector<2048x1xf32>
    %add3A_11 = arith.addf %add3A, %add3A_10 : vector<2048x1xf32>
    %rsqrt3A = math.rsqrt %add3A_11 : vector<2048x1xf32>
    %get3A_12 = arith.constant 0 : index
    %get3A_13 = arith.constant 0 : index
    %get3A_14 = arith.constant 0 : index
    %get3A_15 = vector.load %arg1[%get3A_12, %get3A_13, %get3A_14] : memref<2x2048x128xf32, #tpu.memory_space<vmem>>, vector<1x2048x128xf32>
    %get3A_16 = vector.shape_cast %get3A_15 : vector<1x2048x128xf32> to vector<2048x128xf32>
    %get3A_17 = arith.constant 1 : index
    %get3A_18 = arith.constant 0 : index
    %get3A_19 = arith.constant 0 : index
    %get3A_20 = vector.load %arg1[%get3A_17, %get3A_18, %get3A_19] : memref<2x2048x128xf32, #tpu.memory_space<vmem>>, vector<1x2048x128xf32>
    %get3A_21 = vector.shape_cast %get3A_20 : vector<1x2048x128xf32> to vector<2048x128xf32>
    %add3A_22 = arith.addf %get3A_16, %get3A_21 : vector<2048x128xf32>
    %get3A_23 = arith.constant 0 : index
    %get3A_24 = arith.constant 0 : index
    %get3A_25 = vector.load %arg2[%get3A_23, %get3A_24] : memref<2048x128xf32, #tpu.memory_space<vmem>>, vector<2048x128xf32>
    %add3A_26 = arith.addf %add3A_22, %get3A_25 : vector<2048x128xf32>
    %slice3A = vector.extract_strided_slice %add3A_26 {offsets = [0, 0], sizes = [2048, 64], strides = [1, 1]} : vector<2048x128xf32> to vector<2048x64xf32>
    %mul3A = vector.broadcast %rsqrt3A : vector<2048x1xf32> to vector<2048x64xf32>
    %mul3A_27 = arith.mulf %slice3A, %mul3A : vector<2048x64xf32>
    %get3A_28 = arith.constant 0 : index
    %get3A_29 = arith.constant 0 : index
    %get3A_30 = vector.load %arg4[%get3A_28, %get3A_29] : memref<1x64xf32, #tpu.memory_space<vmem>>, vector<1x64xf32>
    %add3A_31 = vector.broadcast %get3A_30 : vector<1x64xf32> to vector<2048x64xf32>
    %add3A_32 = arith.addf %mul3A_27, %add3A_31 : vector<2048x64xf32>
    %swap3A = arith.constant 0 : index
    %swap3A_33 = arith.constant 0 : index
    %swap3A_34 = vector.load %arg5[%swap3A, %swap3A_33] : memref<2048x64xf32, #tpu.memory_space<vmem>>, vector<2048x64xf32>
    tpu.vector_store %arg5[%swap3A, %swap3A_33], %add3A_32 {strides = array<i32>} : memref<2048x64xf32, #tpu.memory_space<vmem>>, vector<2048x64xf32>,
    return
  }
  func.func @transform_0(%arg0: i32) -> (i32, i32, i32) {
    %c0_i32 = arith.constant 0 : i32
    %c0_i32_0 = arith.constant 0 : i32
    %c0_i32_1 = arith.constant 0 : i32
    return %c0_i32, %arg0, %c0_i32_0 : i32, i32, i32
  }
  func.func @transform_1(%arg0: i32) -> (i32, i32) {
    %c0_i32 = arith.constant 0 : i32
    %c0_i32_0 = arith.constant 0 : i32
    return %arg0, %c0_i32 : i32, i32
  }
  func.func @transform_2(%arg0: i32) -> (i32, i32, i32) {
    %c0_i32 = arith.constant 0 : i32
    %c0_i32_0 = arith.constant 0 : i32
    %c0_i32_1 = arith.constant 0 : i32
    return %c0_i32, %arg0, %c0_i32_0 : i32, i32, i32
  }
  func.func @transform_3(%arg0: i32) -> (i32, i32) {
    %c0_i32 = arith.constant 0 : i32
    %c0_i32_0 = arith.constant 0 : i32
    %c0_i32_1 = arith.constant 0 : i32
    return %c0_i32, %c0_i32_0 : i32, i32
  }
  func.func @transform_4(%arg0: i32) -> (i32, i32) {
    %c0_i32 = arith.constant 0 : i32
    %c0_i32_0 = arith.constant 0 : i32
    return %arg0, %c0_i32 : i32, i32
  }
}

</mosaic_0001>

<sc_bundles>
// kernel: kernel.11.cloned.1.call-start
scs
__scs_entry_jumppad:
0x0: {  	(pc) =	sbr.rel $0x88, $3  }
0x1: {  	(tag) =	ssettag $0x0;
	lr =	simm.s32 $0x1  }
0x2: {  	[smem:$0x3F9B] =	sst lr;
	_ =	strace $0xD0000000  }
0x3: {  	_ = 	snop  }
0x4: {  	_ = 	snop  }
0x5: {  	_ = 	snop  }
0x6: {  	_ = 	snop  }
0x7: {  	_ = 	snop  }
__scs_overlays_trampoline_lowered:
0x8: {  	[smem:$0x3FAA] =	sst s0  }
0x9: {  	[smem:$0x3FAB] =	sst s1  }
0xa: {  	[smem:$0x3FAC] =	sst s2  }
0xb: {  	[smem:$0x3FAD] =	sst s3  }
0xc: {  	[smem:$0x3FAE] =	sst s4  }
0xd: {  	[smem:$0x3FAF] =	sst s5  }
0xe: {  	[smem:$0x3FB0] =	sst s6  }
0xf: {  	[smem:$0x3FB1] =	sst s7  }
0x10: {  	[smem:$0x3FB2] =	sst s8  }
0x11: {  	[smem:$0x3FB3] =	sst s9;
	s0 =	simm.s32 @!p0 $0x0  }
0x12: {  	s1 =	sld [smem:$0x3F99];
	s0 =	simm.s32 @p0 $0x1  }
0x13: {  	[smem:$0x3FB4] =	sst s0;
	s0 =	simm.s32 @!p1 $0x0  }
0x14: {  	s2 =	sld [smem:$0x3F98];
	s0 =	simm.s32 @p1 $0x1  }
0x15: {  	[smem:$0x3FB5] =	sst s0;
	s0 =	simm.s32 @!p2 $0x0  }
0x16: {  	s3 =	sld [smem:$0x3FDB];
	s0 =	simm.s32 @p2 $0x1  }
0x17: {  	s4 =	simm.s32 $0x1BF5;
	[smem:$0x3FB7] =	sst s0  }
0x18: {  	s0 =	sld [smem:$0x3F9A];
	_ =	swait.ge [sflag:s4], $0x0  }
0x19: {  	s7 =	sld [smem:$0x3F9B]  }
0x1a: {  	s8 =	sadd.s32 $0xFFFFE003, lr  }
0x1b: {  	s9 =	sadd.s32 $0xFFFFFEF7, lr;
	s5 =	simm.s32 $0xFFFFFFFF;
	p2 =	slt.u32 s8, $0xFFFFF086  }
0x1c: {  	p1 =	slt.u32 s9, $0xF7A;
	s5 =	simm.s32 @!p2 $0x0  }
0x1d: {  	s5 =	simm.s32 @p1 $0x1;
	p0 =	seq.s32 s7, s2  }
0x1e: {  	s7 =	smul.u32 @!p0 $0xF7A, s2;
	p2 =	seq.s32 @!p0 s5, $0x0  }
0x1f: {  	s9 =	smul.u32 $0xF7A, s1;
	s8 =	simm.s32 @!p0 $0x1BF5;
	p2 =	por !p2, p0  }
0x20: {  	[sflag:s8] =	ssyncset.s32 @!p0 $0xFFFFF086;
	s6 =	sadd.s32 @!p0 s3, s7;
	s7 =	simm.s32 @!p0 $0x108  }
0x21: {  	s3 =	sadd.s32 s3, s9;
	s6 =	sadd.s32 @!p0 $0x88, s6;
	s7 =	simm.s32 @p2 $0x1082  }
0x22: {  	[simem:s7], [sflag:s8] =	dma.local @!p0 [hbm:s6], $0xF7A  }
0x23: {  	s9 =	sor.u32 $0xD0000000, s2;
	s6 =	simm.s32 $0x108;
	_ =	swait.ge @!p0 [sflag:s8], $0x0  }
0x24: {  	s3 =	sadd.s32 $0x88, s3;
	s6 =	simm.s32 @!p1 $0x1082;
	[sflag:s4] =	ssyncset.s32 $0xFFFFF086  }
0x25: {  	[simem:s6], [sflag:s4] =	dma.local [hbm:s3], $0xF7A  }
0x26: {  	[smem:$0x3F9B] =	sst s1;
	(tag) =	ssettag s2;
	_ =	strace s9  }
0x27: {  	s1 =	sld [smem:$0x3FAB]  }
0x28: {  	s2 =	sld [smem:$0x3FAC]  }
0x29: {  	s4 =	sld [smem:$0x3FAE]  }
0x2a: {  	p0 =	seq.s32 s5, $0x0;
	s5 =	sld [smem:$0x3FAF]  }
0x2b: {  	s6 =	sld [smem:$0x3FB0]  }
0x2c: {  	s7 =	sld [smem:$0x3FB1]  }
0x2d: {  	s3 =	simm.s32 $0x108;
	s8 =	sld [smem:$0x3FB2]  }
0x2e: {  	s3 =	simm.s32 @!p0 $0x1082;
	s9 =	sld [smem:$0x3FB3]  }
0x2f: {  	lr =	sadd.s32 s0, s3;
	s0 =	sld [smem:$0x3FAA]  }
0x30: {  	s3 =	sld [smem:$0x3FAD]  }
0x31: {  	[smem:$0x3FB6] =	sst s10  }
0x32: {  	s10 =	sld [smem:$0x3FB4];
	_ =	sdelay $0x3  }
0x33: {  	p0 =	seq.s32 s10, $0x1;
	s10 =	sld [smem:$0x3FB6];
	_ =	sdelay $0x3  }
0x34: {  	[smem:$0x3FB6] =	sst s10  }
0x35: {  	s10 =	sld [smem:$0x3FB5];
	_ =	sdelay $0x3  }
0x36: {  	p1 =	seq.s32 s10, $0x1;
	s10 =	sld [smem:$0x3FB6];
	_ =	sdelay $0x3  }
0x37: {  	[smem:$0x3FB6] =	sst s10  }
0x38: {  	s10 =	sld [smem:$0x3FB7]  }
0x39: {  	_ = 	snop;
	(pc) =	sbr.ind lr, $3  }
0x3a: {  	_ = 	snop  }
0x3b: {  	_ = 	snop  }
0x3c: {  	p2 =	seq.s32 s10, $0x1;
	s10 =	sld [smem:$0x3FB6]  }
0x3d: {  	_ =	shalt  }
0x3e: {  	_ =	shalt  }
0x3f: {  	_ =	shalt  }
0x40: {  	_ =	shalt  }
0x41: {  	_ =	shalt  }
0x42: {  	_ =	shalt  }
0x43: {  	_ =	shalt  }
0x44: {  	_ =	shalt  }
0x45: {  	_ =	shalt  }
0x46: {  	_ =	shalt  }
0x47: {  	_ =	shalt  }
0x48: {  	_ =	shalt  }
0x49: {  	_ =	shalt  }
0x4a: {  	_ =	shalt  }
0x4b: {  	_ =	shalt  }
0x4c: {  	_ =	shalt  }
0x4d: {  	_ =	shalt  }
0x4e: {  	_ =	shalt  }
0x4f: {  	_ =	shalt  }
0x50: {  	_ =	shalt  }
0x51: {  	_ =	shalt  }
0x52: {  	_ =	shalt  }
0x53: {  	_ =	shalt  }
0x54: {  	_ =	shalt  }
0x55: {  	_ =	shalt  }
0x56: {  	_ =	shalt  }
0x57: {  	_ =	shalt  }
0x58: {  	_ =	shalt  }
0x59: {  	_ =	shalt  }
0x5a: {  	_ =	shalt  }
0x5b: {  	_ =	shalt  }
0x5c: {  	_ =	shalt  }
0x5d: {  	_ =	shalt  }
0x5e: {  	_ =	shalt  }
0x5f: {  	_ =	shalt  }
0x60: {  	_ =	shalt  }
0x61: {  	_ =	shalt  }
0x62: {  	_ =	shalt  }
0x63: {  	_ =	shalt  }
0x64: {  	_ =	shalt  }
0x65: {  	_ =	shalt  }
0x66: {  	_ =	shalt  }
0x67: {  	_ =	shalt  }
0x68: {  	_ =	shalt  }
0x69: {  	_ =	shalt  }
0x6a: {  	_ =	shalt  }
0x6b: {  	_ =	shalt  }
0x6c: {  	_ =	shalt  }
0x6d: {  	_ =	shalt  }
0x6e: {  	_ =	shalt  }
0x6f: {  	_ =	shalt  }
0x70: {  	_ =	shalt  }
0x71: {  	_ =	shalt  }
0x72: {  	_ =	shalt  }
0x73: {  	_ =	shalt  }
0x74: {  	_ =	shalt  }
0x75: {  	_ =	shalt  }
0x76: {  	_ =	shalt  }
0x77: {  	_ =	shalt  }
0x78: {  	_ =	shalt  }
0x79: {  	_ =	shalt  }
0x7a: {  	_ =	shalt  }
0x7b: {  	_ =	shalt  }
0x7c: {  	_ =	shalt  }
0x7d: {  	_ =	shalt  }
0x7e: {  	_ =	shalt  }
0x7f: {  	_ =	shalt  }
0x80: {  	_ =	shalt  }
0x81: {  	_ =	shalt  }
0x82: {  	_ =	shalt  }
0x83: {  	_ =	shalt  }
0x84: {  	_ =	shalt  }
0x85: {  	_ =	shalt  }
0x86: {  	_ =	shalt  }
0x87: {  	_ =	shalt  }
.Lfunc_end0:
.L_simem_size_0:
called_computation.1_lowered:
.L_overlay_start_0:
0x88: {  	s2 =	sld [smem:$0x3FD9]  }
0x89: {  	s3 =	sld [smem:$0x3FFE];
	_ =	sdelay $0x1  }
0x8a: {  	s1 =	srdreg.scid  }
0x8b: {  	s0 =	sand.u32 $0x1, s1  }
0x8c: {  	s17 =	sshll.u32 s0, $0xA;
	s2 =	sadd.s32 s3, s2  }
0x8d: {  	s2 =	sadd.s32 s2, s17  }
0x8e: {  	[smem:$0x3FC2] =	sst s2  }
0x8f: {  	_ = 	snop  }
0x90: {  	s2 =	sld [smem:$0x3FD0];
	(tm) =	ssettm $0x1  }
0x91: {  	s18 =	sld [smem:$0x3FFB];
	_ =	sdelay $0x3  }
0x92: {  	_ =	strace s18  }
0x93: {  	s3 =	sld [smem:$0x3FFC];
	_ =	sdelay $0x3  }
0x94: {  	_ =	strace s3  }
0x95: {  	s3 =	sld [smem:$0x3FFD];
	_ =	sdelay $0x3  }
0x96: {  	_ =	strace s3  }
0x97: {  	_ =	strace $0x8FFFFFFF  }
0x98: {  	s19 =	sld [smem:$0x3FDB];
	_ =	sdelay $0x1  }
0x99: {  	s4 =	simm.s32 $_scs_section_size  }
0x9a: {  	s5 =	simm.s32 $_size__tile_overlayer_lowered;
	s6 =	simm.s32 $_tile_overlayer_lowered  }
0x9b: {  	s22 =	simm.s32 $0x1BFF;
	s21 =	sshll.u32 s6, $0x1;
	s3 =	sadd.s32 s4, s19  }
0x9c: {  	s7 =	simm.s32 $0x0;
	s20 =	sshll.u32 s5, $0x1;
	s5 =	sadd.s32 s21, s3  }
0x9d: {  	[timem:s7], [sflag:s22] =	dma.local [hbm:s5], s20  }
0x9e: {  	_ =	swait.ge [sflag:s22], s20  }
0x9f: {  	s4 =	ssub.s32 $0x0, s20;
	[sflag:s22] =	ssyncset.done $0x0  }
0xa0: {  	[sflag:s22] =	ssyncadd.s32 s4;
	_ =	sdelay $0x1  }
0xa1: {  	s23 =	simm.s32 $0x1B8B  }
0xa2: {  	_ =	swait.ge [sflag:s23], $0x1  }
0xa3: {  	[sflag:s23] =	ssyncset.done $0x0  }
0xa4: {  	s25 =	simm.s32 $0x1B8E;
	s24 =	sld [smem:$0x3FFE];
	[sflag:s23] =	ssyncadd.s32 $0xFFFFFFFF  }
0xa5: {  	s26 =	simm.s32 $execute0_lowered;
	[smem:$0x3FD2] =	sst s25  }
0xa6: {  	s5 =	sshll.u32 s26, $0x1;
	_ =	strace $0x80000049;
	[dreg:$0x1] =	wrdreg $0xFFFFFFFF  }
0xa7: {  	s28 =	simm.s32 $_size_execute0_lowered;
	s3 =	sadd.s32 s3, s5;
	[dreg:$0x0] =	wrdreg $0x0  }
0xa8: {  	s5 =	sshll.u32 s28, $0x1;
	[dreg:$0x2] =	wrdreg s3  }
0xa9: {  	[dreg:$0x3] =	wrdreg s5  }
0xaa: {  	[dreg:$0x4] =	wrdreg $0xC0  }
0xab: {  	_ =	task [dreg:s7], $0x5FFFF  }
0xac: {  	[dreg:$0x1] =	wrdreg $0xFFFFFFFF  }
0xad: {  	[dreg:$0x0] =	wrdreg $0x60  }
0xae: {  	[dreg:$0x2] =	wrdreg s24  }
0xaf: {  	[dreg:$0x3] =	wrdreg s2  }
0xb0: {  	[dreg:$0x4] =	wrdreg $0x0  }
0xb1: {  	[dreg:$0x5] =	wrdreg $0x9  }
0xb2: {  	_ =	task.clear_ibuf [dreg:s7], $0x6FFFF;
	_ =	strace $0x90000049  }
0xb3: {  	s29 =	simm.s32 $0x9;
	_ =	strace $0x8000004B  }
0xb4: {  	_ =	swait.ge [sflag:s29], $0x1  }
0xb5: {  	[sflag:s29] =	ssyncadd.s32 $0xFFFFFFFF  }
0xb6: {  	_ =	strace $0x9000004B  }
0xb7: {  	_ =	sfence  }
0xb8: {  	s30 =	sld [smem:$0x0];
	_ =	sdelay $0x2  }
0xb9: {  	s31 =	sshll.u32 s1, $0xD;
	s1 =	sshrl.u32 s1, $0x2  }
0xba: {  	s3 =	sand.u32 $0x4000, s31;
	s1 =	sadd.s32 s1, s30  }
0xbb: {  	s0 =	sor.u32 s3, s0;
	s1 =	sshll.u32 s1, $0x11  }
0xbc: {  	s0 =	sor.u32 s1, s0  }
0xbd: {  	s0 =	sadd.s32 $0x8F2B, s0  }
0xbe: {  	[sflag:s0] =	ssyncadd.remote.s32 $0x1  }
0xbf: {  	_ =	sfence.sel $0xFFFF  }
0xc0: {  	[dreg:$0x0] =	wrdreg $0xFFFFFFFF;
	(pc) =	sbr.abs _section_cstart, $3  }
0xc1: {  	[dreg:$0x1] =	wrdreg $0xFFFFFFFF  }
0xc2: {  	_ =	task.clear_ibuf [dreg:s7], $0x2FFFF;
	_ =	strace $0x9FFFFFFF  }
0xc3: {  	(tm) =	ssettm $0x7FFFFFFF  }
tec
execute0_lowered:
.L_overlay_start_1:
0x0: {  	(tag) =	ssettag $0x1  }
0x1: {  	s5 =	rddreg [dreg:$0x0]  }
0x2: {  	s6 =	rddreg [dreg:$0x1]  }
0x3: {  	s2 =	rddreg [dreg:$0x2]  }
0x4: {  	s0 =	rddreg [dreg:$0x3];
	s3 =	simm.s32 $0x0;
	s4 =	srdreg.scid  }
0x5: {  	s1 =	stileid.u32;
	s18 =	simm.s32 $0x14000;
	s19 =	simm.s32 $0x2  }
0x6: {  	s20 =	simm.s32 $0x16800;
	s21 =	simm.s32 $0x19000;
	s22 =	simm.s32 $0x80  }
0x7: {  	s23 =	simm.s32 $0x1;
	s24 =	simm.s32 $0x0;
	s8 =	smul.u32 $0x280, s1  }
0x8: {  	s7 =	sand.u32 $0x1, s4;
	s28 =	sshll.u32 s1, $0x1;
	s29 =	smul.u32 $0x50000, s1  }
0x9: {  	[smem:$0x7FF] =	sst s3;
	s4 =	sor.u32 s7, s28;
	s9 =	smul.u32 $0x2800, s7  }
0xa: {  	_ =	strace $0x8000004A;
	s7 =	ssub.s32 $0x2, s7;
	s10 =	smul.u32 $0x500, s4  }
0xb: {  	s4 =	sadd.s32 $0x5CA00, s5;
	s30 =	sshrl.u32 s7, $0x1;
	s8 =	sadd.s32 s8, s9  }
0xc: {  	s31 =	sshrl.u32 s29, $0x2;
	s17 =	ssub.s32 s7, s30;
	s8 =	sshll.u32 s8, $0x4  }
0xd: {  	s11 =	sadd.s32 s10, s5;
	s17 =	smax.u32 s17, $0x1;
	s16 =	sadd.s32 s8, s5  }
0xe: {  	s5 =	sadd.s32 s6, s10;
	s6 =	sadd.s32 s31, s2;
	s7 =	sadd.s32 $0x2A00, s11  }
0xf: {  	s8 =	sadd.s32 $0x4000, s6;
	s9 =	sadd.s32 $0x8000, s6;
	s10 =	sadd.s32 $0xC000, s6  }
0x10: {  	s11 =	sadd.s32 $0x10000, s6;
	s12 =	sadd.s32 $0x84A00, s16;
	s13 =	sadd.s32 $0x85200, s16  }
0x11: {  	v0 =	vimm.f32 $0.0e+00;
	s14 =	sadd.s32 $0x85A00, s16;
	s15 =	sadd.s32 $0x86200, s16;
	s16 =	sadd.s32 $0x86A00, s16  }
.LBB2_1:
0x12: {  	[tilespmem:s18], [sflag:$0x2] =	stream.linear.gather [hbm4b:s5+s3], $0x2800, $0x38;
	[tilespmem:$0x1D000] =	vst v63  }
0x13: {  	_ =	swait.ge [sflag:s19], $0x2800  }
0x14: {  	[sflag:s19] =	ssyncset.done $0x0  }
0x15: {  	[sflag:s19] =	ssyncadd.s32 $0xFFFFD800  }
0x16: {  	[tilespmem:s20], [sflag:$0x2] =	stream.linear.gather [hbm4b:s7+s3], $0x2800, $0x38;
	[tilespmem:$0x1D000] =	vst v63  }
0x17: {  	s25 =	sand.u32 $0xFE00, s3;
	s26 =	sand.u32 $0x70, s3;
	_ =	swait.ge [sflag:s19], $0x2800  }
0x18: {  	s28 =	sshrl.u32 s25, $0x2;
	s25 =	simm.s32 $0x40;
	[sflag:s19] =	ssyncset.done $0x0  }
0x19: {  	s28 =	sor.u32 s26, s28;
	s26 =	simm.s32 $0x0;
	[sflag:s19] =	ssyncadd.s32 $0xFFFFD800  }
.LBB2_2:
0x1a: {  	p0 =	sne.s32 s25, $0xFFC0  }
0x1b: {  	[tilespmem:s28+$0x19000] =	vst v0;
	s26 =	sadd.s32 $0x10, s26;
	s28 =	smov.u32 s25;
	s25 =	sadd.s32 $0x40, s25  }
.Ltmp0:
0x1c: {  	(pc) =	sbr.rel @p0 .LBB2_2-.Ltmp0, $4  }
0x1d: {  	_ = 	snop  }
0x1e: {  	s28 =	sand.u32 $0xFE00, s28  }
0x1f: {  	s29 =	sand.u32 $0x70, s26;
	s28 =	sshrl.u32 s28, $0x2  }
0x20: {  	s28 =	sor.u32 s29, s28  }
0x21: {  	[tilespmem:s28+$0x19000] =	vst v0  }
0x22: {  	[spmem:s6] =	stream.linear.scatter [tilespmem:s21], [sflag:$0x2], $0x4000, $0x38;
	[tilespmem:$0x1D000] =	vst v63  }
0x23: {  	_ =	swait.ge [sflag:s19], $0x4000  }
0x24: {  	[sflag:s19] =	ssyncset.done $0x0  }
0x25: {  	[sflag:s19] =	ssyncadd.s32 $0xFFFFC000  }
0x26: {  	[spmem:s8] =	stream.linear.scatter [tilespmem:s21], [sflag:$0x2], $0x4000, $0x38;
	[tilespmem:$0x1D000] =	vst v63  }
0x27: {  	_ =	swait.ge [sflag:s19], $0x4000  }
0x28: {  	[sflag:s19] =	ssyncset.done $0x0  }
0x29: {  	[sflag:s19] =	ssyncadd.s32 $0xFFFFC000  }
0x2a: {  	[spmem:s9] =	stream.linear.scatter [tilespmem:s21], [sflag:$0x2], $0x4000, $0x38;
	[tilespmem:$0x1D000] =	vst v63  }
0x2b: {  	_ =	swait.ge [sflag:s19], $0x4000  }
0x2c: {  	[sflag:s19] =	ssyncset.done $0x0  }
0x2d: {  	[sflag:s19] =	ssyncadd.s32 $0xFFFFC000  }
0x2e: {  	[spmem:s10] =	stream.linear.scatter [tilespmem:s21], [sflag:$0x2], $0x4000, $0x38;
	[tilespmem:$0x1D000] =	vst v63  }
0x2f: {  	_ =	swait.ge [sflag:s19], $0x4000  }
0x30: {  	[sflag:s19] =	ssyncset.done $0x0  }
0x31: {  	[sflag:s19] =	ssyncadd.s32 $0xFFFFC000  }
0x32: {  	[spmem:s11] =	stream.linear.scatter [tilespmem:s21], [sflag:$0x2], $0x4000, $0x38;
	[tilespmem:$0x1D000] =	vst v63  }
0x33: {  	_ =	swait.ge [sflag:s19], $0x4000  }
0x34: {  	[sflag:s19] =	ssyncset.done $0x0  }
0x35: {  	[sflag:s19] =	ssyncadd.s32 $0xFFFFC000  }
0x36: {  	s25 =	simm.s32 $0x14000;
	[bflag:$0x0] =	sbarrier.arrive $0xFFFF  }
0x37: {  	[tilespmem:s21], [sflag:$0x1] =	stream.indirect.gather [hbm4b:s4+s22], $0x80, s25, s22, $0xb8;
	[tilespmem:$0x1D000] =	vst v63  }
0x38: {  	_ =	swait.ge [sflag:s23], $0x4000  }
0x39: {  	[sflag:s23] =	ssyncset.done $0x0  }
0x3a: {  	s31 =	simm.s32 $0x16800;
	[sflag:s23] =	ssyncadd.s32 $0xFFFFC000  }
0x3b: {  	[spmem:s2] =	stream.indirect.scatter.add.f32 [tilespmem:s21], [sflag:$0x2], $0x80, s31, s22, $0xb8;
	[tilespmem:$0x1D000] =	vst v63  }
0x3c: {  	_ =	swait.ge [sflag:s19], $0x4000  }
0x3d: {  	s26 =	simm.s32 $0x400;
	s25 =	simm.s32 $0x80;
	[sflag:s19] =	ssyncset.done $0x0  }
.LBB2_4:
0x3e: {  	s28 =	sadd.s32 $0x14000, s25  }
0x3f: {  	[sflag:s19] =	ssyncadd.s32 $0xFFFFC000;
	s29 =	smov.u32 s26;
	s30 =	sadd.s32 $0x200, s26  }
0x40: {  	[tilespmem:s21], [sflag:$0x1] =	stream.indirect.gather [hbm4b:s4+s22], $0x80, s28, s22, $0xb8;
	[tilespmem:$0x1D000] =	vst v63  }
0x41: {  	p0 =	sne.s32 s26, $0x9E00;
	_ =	swait.ge [sflag:s23], $0x4000  }
.Ltmp1:
0x42: {  	[sflag:s23] =	ssyncset.done $0x0;
	(pc) =	sbr.rel @p0 .LBB2_4-.Ltmp1, $4  }
0x43: {  	s25 =	sadd.s32 $0x16800, s25;
	[sflag:s23] =	ssyncadd.s32 $0xFFFFC000  }
0x44: {  	[spmem:s2] =	stream.indirect.scatter.add.f32 [tilespmem:s21], [sflag:$0x2], $0x80, s25, s22, $0xb8;
	[tilespmem:$0x1D000] =	vst v63  }
0x45: {  	_ =	swait.ge [sflag:s19], $0x4000  }
0x46: {  	s26 =	smov.u32 s30;
	s25 =	sshra.s32 s29, $0x2;
	[sflag:s19] =	ssyncset.done $0x0  }
0x47: {  	s26 =	sadd.s32 $0x14000, s25;
	[sflag:s19] =	ssyncadd.s32 $0xFFFFC000  }
0x48: {  	[tilespmem:s21], [sflag:$0x1] =	stream.indirect.gather [hbm4b:s4+s22], $0x80, s26, s22, $0xb8;
	[tilespmem:$0x1D000] =	vst v63  }
0x49: {  	_ =	swait.ge [sflag:s23], $0x4000  }
0x4a: {  	[sflag:s23] =	ssyncset.done $0x0  }
0x4b: {  	s31 =	sadd.s32 $0x16800, s25;
	[sflag:s23] =	ssyncadd.s32 $0xFFFFC000  }
0x4c: {  	[spmem:s2] =	stream.indirect.scatter.add.f32 [tilespmem:s21], [sflag:$0x2], $0x80, s31, s22, $0xb8;
	[tilespmem:$0x1D000] =	vst v63  }
0x4d: {  	_ =	swait.ge [sflag:s19], $0x4000  }
0x4e: {  	[sflag:s19] =	ssyncset.done $0x0  }
0x4f: {  	[sflag:s19] =	ssyncadd.s32 $0xFFFFC000  }
0x50: {  	[bflag:$0x0] =	sbarrier.arrive $0xFFFF  }
0x51: {  	[tilespmem:s21], [sflag:$0x2] =	stream.linear.gather [spmem:s6], $0x4000, $0x38;
	[tilespmem:$0x1D000] =	vst v63  }
0x52: {  	_ =	swait.ge [sflag:s19], $0x4000  }
0x53: {  	[sflag:s19] =	ssyncset.done $0x0  }
0x54: {  	[sflag:s19] =	ssyncadd.s32 $0xFFFFC000  }
0x55: {  	[hbm4b:s12+s3] =	stream.linear.scatter [tilespmem:s21], [sflag:$0x2], $0x4000, $0x38;
	[tilespmem:$0x1D000] =	vst v63  }
0x56: {  	_ =	swait.ge [sflag:s19], $0x4000  }
0x57: {  	[sflag:s19] =	ssyncset.done $0x0  }
0x58: {  	[sflag:s19] =	ssyncadd.s32 $0xFFFFC000  }
0x59: {  	[tilespmem:s21], [sflag:$0x2] =	stream.linear.gather [spmem:s8], $0x4000, $0x38;
	[tilespmem:$0x1D000] =	vst v63  }
0x5a: {  	_ =	swait.ge [sflag:s19], $0x4000  }
0x5b: {  	[sflag:s19] =	ssyncset.done $0x0  }
0x5c: {  	[sflag:s19] =	ssyncadd.s32 $0xFFFFC000  }
0x5d: {  	[hbm4b:s13+s3] =	stream.linear.scatter [tilespmem:s21], [sflag:$0x2], $0x4000, $0x38;
	[tilespmem:$0x1D000] =	vst v63  }
0x5e: {  	_ =	swait.ge [sflag:s19], $0x4000  }
0x5f: {  	[sflag:s19] =	ssyncset.done $0x0  }
0x60: {  	[sflag:s19] =	ssyncadd.s32 $0xFFFFC000  }
0x61: {  	[tilespmem:s21], [sflag:$0x2] =	stream.linear.gather [spmem:s9], $0x4000, $0x38;
	[tilespmem:$0x1D000] =	vst v63  }
0x62: {  	_ =	swait.ge [sflag:s19], $0x4000  }
0x63: {  	[sflag:s19] =	ssyncset.done $0x0  }
0x64: {  	[sflag:s19] =	ssyncadd.s32 $0xFFFFC000  }
0x65: {  	[hbm4b:s14+s3] =	stream.linear.scatter [tilespmem:s21], [sflag:$0x2], $0x4000, $0x38;
	[tilespmem:$0x1D000] =	vst v63  }
0x66: {  	_ =	swait.ge [sflag:s19], $0x4000  }
0x67: {  	[sflag:s19] =	ssyncset.done $0x0  }
0x68: {  	[sflag:s19] =	ssyncadd.s32 $0xFFFFC000  }
0x69: {  	[tilespmem:s21], [sflag:$0x2] =	stream.linear.gather [spmem:s10], $0x4000, $0x38;
	[tilespmem:$0x1D000] =	vst v63  }
0x6a: {  	_ =	swait.ge [sflag:s19], $0x4000  }
0x6b: {  	[sflag:s19] =	ssyncset.done $0x0  }
0x6c: {  	[sflag:s19] =	ssyncadd.s32 $0xFFFFC000  }
0x6d: {  	[hbm4b:s15+s3] =	stream.linear.scatter [tilespmem:s21], [sflag:$0x2], $0x4000, $0x38;
	[tilespmem:$0x1D000] =	vst v63  }
0x6e: {  	_ =	swait.ge [sflag:s19], $0x4000  }
0x6f: {  	[sflag:s19] =	ssyncset.done $0x0  }
0x70: {  	[sflag:s19] =	ssyncadd.s32 $0xFFFFC000  }
0x71: {  	[tilespmem:s21], [sflag:$0x2] =	stream.linear.gather [spmem:s11], $0x4000, $0x38;
	[tilespmem:$0x1D000] =	vst v63  }
0x72: {  	s24 =	sadd.s32 $0x1, s24;
	_ =	swait.ge [sflag:s19], $0x4000  }
0x73: {  	p0 =	sne.s32 s24, s17;
	[sflag:s19] =	ssyncset.done $0x0  }
.Ltmp2:
0x74: {  	[sflag:s19] =	ssyncadd.s32 $0xFFFFC000;
	(pc) =	sbr.rel @p0 .LBB2_1-.Ltmp2, $4  }
0x75: {  	[hbm4b:s16+s3] =	stream.linear.scatter [tilespmem:s21], [sflag:$0x2], $0x4000, $0x38;
	[tilespmem:$0x1D000] =	vst v63  }
0x76: {  	_ =	swait.ge [sflag:s19], $0x4000  }
0x77: {  	[sflag:s19] =	ssyncset.done $0x0  }
0x78: {  	[sflag:s19] =	ssyncadd.s32 $0xFFFFC000  }
0x79: {  	_ =	sfence.sel $0x180000  }
0x7a: {  	[bflag:$0x0] =	sbarrier.arrive $0xFFFF  }
0x7b: {  	p0 =	sne.s32 s1, $0x0;
	_ =	strace $0x9000004A  }
0x7c: {  	s0 =	sadd.s32 @!p0 $0x100000, s0;
	[bflag:$0x2] =	sbarrier.arrive $0xFFFF  }
0x7d: {  	[sflag:s0] =	ssyncadd.tile.s32 @!p0 $0x1;
	_ =	shalt  }
.Lfunc_end2:
_tile_overlayer_lowered:
.L_overlay_start_2:
0x7e: {  	(tag) =	ssettag $0x2  }
0x7f: {  	s0 =	rddreg [dreg:$0x0];
	s2 =	stileid.u32  }
0x80: {  	s1 =	rddreg [dreg:$0x1];
	p0 =	sne.s32 s2, $0x0  }
0x81: {  	s3 =	rddreg [dreg:$0x2];
	[bflag:$0x3] =	sbarrier.arrive $0xFFFF;
	s2 =	simm.s32 @!p0 $0x1C02  }
0x82: {  	[timem:s3], [sflag:s2] =	dma.local @!p0 [hbm:s0], s1  }
0x83: {  	s0 =	simm.s32 @!p0 $0x2  }
0x84: {  	_ =	swait.ge @!p0 [sflag:s0], s1  }
0x85: {  	s1 =	ssub.s32 @!p0 $0x0, s1;
	[sflag:s0] =	ssyncset.done @!p0 $0x0  }
0x86: {  	[sflag:s0] =	ssyncadd.s32 @!p0 s1  }
0x87: {  	[bflag:$0x3] =	sbarrier.arrive $0xFFFF  }
0x88: {  	_ =	shalt  }

// kernel: kernel.14.cloned.1.call-start
scs
__scs_entry_jumppad:
0x0: {  	(pc) =	sbr.rel $0x88, $3  }
0x1: {  	(tag) =	ssettag $0x0;
	lr =	simm.s32 $0x1  }
0x2: {  	[smem:$0x3F9B] =	sst lr;
	_ =	strace $0xD0000000  }
0x3: {  	_ = 	snop  }
0x4: {  	_ = 	snop  }
0x5: {  	_ = 	snop  }
0x6: {  	_ = 	snop  }
0x7: {  	_ = 	snop  }
__scs_overlays_trampoline_lowered:
0x8: {  	[smem:$0x3FAA] =	sst s0  }
0x9: {  	[smem:$0x3FAB] =	sst s1  }
0xa: {  	[smem:$0x3FAC] =	sst s2  }
0xb: {  	[smem:$0x3FAD] =	sst s3  }
0xc: {  	[smem:$0x3FAE] =	sst s4  }
0xd: {  	[smem:$0x3FAF] =	sst s5  }
0xe: {  	[smem:$0x3FB0] =	sst s6  }
0xf: {  	[smem:$0x3FB1] =	sst s7  }
0x10: {  	[smem:$0x3FB2] =	sst s8  }
0x11: {  	[smem:$0x3FB3] =	sst s9;
	s0 =	simm.s32 @!p0 $0x0  }
0x12: {  	s1 =	sld [smem:$0x3F99];
	s0 =	simm.s32 @p0 $0x1  }
0x13: {  	[smem:$0x3FB4] =	sst s0;
	s0 =	simm.s32 @!p1 $0x0  }
0x14: {  	s2 =	sld [smem:$0x3F98];
	s0 =	simm.s32 @p1 $0x1  }
0x15: {  	[smem:$0x3FB5] =	sst s0;
	s0 =	simm.s32 @!p2 $0x0  }
0x16: {  	s3 =	sld [smem:$0x3FDB];
	s0 =	simm.s32 @p2 $0x1  }
0x17: {  	s4 =	simm.s32 $0x1BF5;
	[smem:$0x3FB7] =	sst s0  }
0x18: {  	s0 =	sld [smem:$0x3F9A];
	_ =	swait.ge [sflag:s4], $0x0  }
0x19: {  	s7 =	sld [smem:$0x3F9B]  }
0x1a: {  	s8 =	sadd.s32 $0xFFFFE003, lr  }
0x1b: {  	s9 =	sadd.s32 $0xFFFFFEF7, lr;
	s5 =	simm.s32 $0xFFFFFFFF;
	p2 =	slt.u32 s8, $0xFFFFF086  }
0x1c: {  	p1 =	slt.u32 s9, $0xF7A;
	s5 =	simm.s32 @!p2 $0x0  }
0x1d: {  	s5 =	simm.s32 @p1 $0x1;
	p0 =	seq.s32 s7, s2  }
0x1e: {  	s7 =	smul.u32 @!p0 $0xF7A, s2;
	p2 =	seq.s32 @!p0 s5, $0x0  }
0x1f: {  	s9 =	smul.u32 $0xF7A, s1;
	s8 =	simm.s32 @!p0 $0x1BF5;
	p2 =	por !p2, p0  }
0x20: {  	[sflag:s8] =	ssyncset.s32 @!p0 $0xFFFFF086;
	s6 =	sadd.s32 @!p0 s3, s7;
	s7 =	simm.s32 @!p0 $0x108  }
0x21: {  	s3 =	sadd.s32 s3, s9;
	s6 =	sadd.s32 @!p0 $0x88, s6;
	s7 =	simm.s32 @p2 $0x1082  }
0x22: {  	[simem:s7], [sflag:s8] =	dma.local @!p0 [hbm:s6], $0xF7A  }
0x23: {  	s9 =	sor.u32 $0xD0000000, s2;
	s6 =	simm.s32 $0x108;
	_ =	swait.ge @!p0 [sflag:s8], $0x0  }
0x24: {  	s3 =	sadd.s32 $0x88, s3;
	s6 =	simm.s32 @!p1 $0x1082;
	[sflag:s4] =	ssyncset.s32 $0xFFFFF086  }
0x25: {  	[simem:s6], [sflag:s4] =	dma.local [hbm:s3], $0xF7A  }
0x26: {  	[smem:$0x3F9B] =	sst s1;
	(tag) =	ssettag s2;
	_ =	strace s9  }
0x27: {  	s1 =	sld [smem:$0x3FAB]  }
0x28: {  	s2 =	sld [smem:$0x3FAC]  }
0x29: {  	s4 =	sld [smem:$0x3FAE]  }
0x2a: {  	p0 =	seq.s32 s5, $0x0;
	s5 =	sld [smem:$0x3FAF]  }
0x2b: {  	s6 =	sld [smem:$0x3FB0]  }
0x2c: {  	s7 =	sld [smem:$0x3FB1]  }
0x2d: {  	s3 =	simm.s32 $0x108;
	s8 =	sld [smem:$0x3FB2]  }
0x2e: {  	s3 =	simm.s32 @!p0 $0x1082;
	s9 =	sld [smem:$0x3FB3]  }
0x2f: {  	lr =	sadd.s32 s0, s3;
	s0 =	sld [smem:$0x3FAA]  }
0x30: {  	s3 =	sld [smem:$0x3FAD]  }
0x31: {  	[smem:$0x3FB6] =	sst s10  }
0x32: {  	s10 =	sld [smem:$0x3FB4];
	_ =	sdelay $0x3  }
0x33: {  	p0 =	seq.s32 s10, $0x1;
	s10 =	sld [smem:$0x3FB6];
	_ =	sdelay $0x3  }
0x34: {  	[smem:$0x3FB6] =	sst s10  }
0x35: {  	s10 =	sld [smem:$0x3FB5];
	_ =	sdelay $0x3  }
0x36: {  	p1 =	seq.s32 s10, $0x1;
	s10 =	sld [smem:$0x3FB6];
	_ =	sdelay $0x3  }
0x37: {  	[smem:$0x3FB6] =	sst s10  }
0x38: {  	s10 =	sld [smem:$0x3FB7]  }
0x39: {  	_ = 	snop;
	(pc) =	sbr.ind lr, $3  }
0x3a: {  	_ = 	snop  }
0x3b: {  	_ = 	snop  }
0x3c: {  	p2 =	seq.s32 s10, $0x1;
	s10 =	sld [smem:$0x3FB6]  }
0x3d: {  	_ =	shalt  }
0x3e: {  	_ =	shalt  }
0x3f: {  	_ =	shalt  }
0x40: {  	_ =	shalt  }
0x41: {  	_ =	shalt  }
0x42: {  	_ =	shalt  }
0x43: {  	_ =	shalt  }
0x44: {  	_ =	shalt  }
0x45: {  	_ =	shalt  }
0x46: {  	_ =	shalt  }
0x47: {  	_ =	shalt  }
0x48: {  	_ =	shalt  }
0x49: {  	_ =	shalt  }
0x4a: {  	_ =	shalt  }
0x4b: {  	_ =	shalt  }
0x4c: {  	_ =	shalt  }
0x4d: {  	_ =	shalt  }
0x4e: {  	_ =	shalt  }
0x4f: {  	_ =	shalt  }
0x50: {  	_ =	shalt  }
0x51: {  	_ =	shalt  }
0x52: {  	_ =	shalt  }
0x53: {  	_ =	shalt  }
0x54: {  	_ =	shalt  }
0x55: {  	_ =	shalt  }
0x56: {  	_ =	shalt  }
0x57: {  	_ =	shalt  }
0x58: {  	_ =	shalt  }
0x59: {  	_ =	shalt  }
0x5a: {  	_ =	shalt  }
0x5b: {  	_ =	shalt  }
0x5c: {  	_ =	shalt  }
0x5d: {  	_ =	shalt  }
0x5e: {  	_ =	shalt  }
0x5f: {  	_ =	shalt  }
0x60: {  	_ =	shalt  }
0x61: {  	_ =	shalt  }
0x62: {  	_ =	shalt  }
0x63: {  	_ =	shalt  }
0x64: {  	_ =	shalt  }
0x65: {  	_ =	shalt  }
0x66: {  	_ =	shalt  }
0x67: {  	_ =	shalt  }
0x68: {  	_ =	shalt  }
0x69: {  	_ =	shalt  }
0x6a: {  	_ =	shalt  }
0x6b: {  	_ =	shalt  }
0x6c: {  	_ =	shalt  }
0x6d: {  	_ =	shalt  }
0x6e: {  	_ =	shalt  }
0x6f: {  	_ =	shalt  }
0x70: {  	_ =	shalt  }
0x71: {  	_ =	shalt  }
0x72: {  	_ =	shalt  }
0x73: {  	_ =	shalt  }
0x74: {  	_ =	shalt  }
0x75: {  	_ =	shalt  }
0x76: {  	_ =	shalt  }
0x77: {  	_ =	shalt  }
0x78: {  	_ =	shalt  }
0x79: {  	_ =	shalt  }
0x7a: {  	_ =	shalt  }
0x7b: {  	_ =	shalt  }
0x7c: {  	_ =	shalt  }
0x7d: {  	_ =	shalt  }
0x7e: {  	_ =	shalt  }
0x7f: {  	_ =	shalt  }
0x80: {  	_ =	shalt  }
0x81: {  	_ =	shalt  }
0x82: {  	_ =	shalt  }
0x83: {  	_ =	shalt  }
0x84: {  	_ =	shalt  }
0x85: {  	_ =	shalt  }
0x86: {  	_ =	shalt  }
0x87: {  	_ =	shalt  }
.Lfunc_end0:
.L_simem_size_0:
called_computation.2_lowered:
.L_overlay_start_0:
0x88: {  	s2 =	sld [smem:$0x3FD9]  }
0x89: {  	s3 =	sld [smem:$0x3FFE];
	_ =	sdelay $0x1  }
0x8a: {  	s1 =	srdreg.scid  }
0x8b: {  	s0 =	sand.u32 $0x1, s1  }
0x8c: {  	s17 =	sshll.u32 s0, $0xA;
	s2 =	sadd.s32 s3, s2  }
0x8d: {  	s2 =	sadd.s32 s2, s17  }
0x8e: {  	[smem:$0x3FC2] =	sst s2  }
0x8f: {  	_ = 	snop  }
0x90: {  	s2 =	sld [smem:$0x3FD0];
	(tm) =	ssettm $0x1  }
0x91: {  	s18 =	sld [smem:$0x3FFB];
	_ =	sdelay $0x3  }
0x92: {  	_ =	strace s18  }
0x93: {  	s3 =	sld [smem:$0x3FFC];
	_ =	sdelay $0x3  }
0x94: {  	_ =	strace s3  }
0x95: {  	s3 =	sld [smem:$0x3FFD];
	_ =	sdelay $0x3  }
0x96: {  	_ =	strace s3  }
0x97: {  	_ =	strace $0x8FFFFFFF  }
0x98: {  	s19 =	sld [smem:$0x3FDB];
	_ =	sdelay $0x1  }
0x99: {  	s4 =	simm.s32 $_scs_section_size  }
0x9a: {  	s5 =	simm.s32 $_size__tile_overlayer_lowered;
	s6 =	simm.s32 $_tile_overlayer_lowered  }
0x9b: {  	s22 =	simm.s32 $0x1BFF;
	s21 =	sshll.u32 s6, $0x1;
	s3 =	sadd.s32 s4, s19  }
0x9c: {  	s7 =	simm.s32 $0x0;
	s20 =	sshll.u32 s5, $0x1;
	s5 =	sadd.s32 s21, s3  }
0x9d: {  	[timem:s7], [sflag:s22] =	dma.local [hbm:s5], s20  }
0x9e: {  	_ =	swait.ge [sflag:s22], s20  }
0x9f: {  	s4 =	ssub.s32 $0x0, s20;
	[sflag:s22] =	ssyncset.done $0x0  }
0xa0: {  	[sflag:s22] =	ssyncadd.s32 s4;
	_ =	sdelay $0x1  }
0xa1: {  	s23 =	simm.s32 $0x1B8B  }
0xa2: {  	_ =	swait.ge [sflag:s23], $0x1  }
0xa3: {  	[sflag:s23] =	ssyncset.done $0x0  }
0xa4: {  	s25 =	simm.s32 $0x1B8E;
	s24 =	sld [smem:$0x3FFE];
	[sflag:s23] =	ssyncadd.s32 $0xFFFFFFFF  }
0xa5: {  	s26 =	simm.s32 $execute0_lowered;
	[smem:$0x3FD2] =	sst s25  }
0xa6: {  	s5 =	sshll.u32 s26, $0x1;
	_ =	strace $0x8000004C;
	[dreg:$0x1] =	wrdreg $0xFFFFFFFF  }
0xa7: {  	s28 =	simm.s32 $_size_execute0_lowered;
	s3 =	sadd.s32 s3, s5;
	[dreg:$0x0] =	wrdreg $0x0  }
0xa8: {  	s5 =	sshll.u32 s28, $0x1;
	[dreg:$0x2] =	wrdreg s3  }
0xa9: {  	[dreg:$0x3] =	wrdreg s5  }
0xaa: {  	[dreg:$0x4] =	wrdreg $0xC0  }
0xab: {  	_ =	task [dreg:s7], $0x5FFFF  }
0xac: {  	[dreg:$0x1] =	wrdreg $0xFFFFFFFF  }
0xad: {  	[dreg:$0x0] =	wrdreg $0x60  }
0xae: {  	[dreg:$0x2] =	wrdreg s24  }
0xaf: {  	[dreg:$0x3] =	wrdreg s2  }
0xb0: {  	[dreg:$0x4] =	wrdreg $0x0  }
0xb1: {  	[dreg:$0x5] =	wrdreg $0x9  }
0xb2: {  	_ =	task.clear_ibuf [dreg:s7], $0x6FFFF;
	_ =	strace $0x9000004C  }
0xb3: {  	s29 =	simm.s32 $0x9;
	_ =	strace $0x8000004E  }
0xb4: {  	_ =	swait.ge [sflag:s29], $0x1  }
0xb5: {  	[sflag:s29] =	ssyncadd.s32 $0xFFFFFFFF  }
0xb6: {  	_ =	strace $0x9000004E  }
0xb7: {  	_ =	sfence  }
0xb8: {  	s30 =	sld [smem:$0x0];
	_ =	sdelay $0x2  }
0xb9: {  	s31 =	sshll.u32 s1, $0xD;
	s1 =	sshrl.u32 s1, $0x2  }
0xba: {  	s3 =	sand.u32 $0x4000, s31;
	s1 =	sadd.s32 s1, s30  }
0xbb: {  	s0 =	sor.u32 s3, s0;
	s1 =	sshll.u32 s1, $0x11  }
0xbc: {  	s0 =	sor.u32 s1, s0  }
0xbd: {  	s0 =	sadd.s32 $0x8F2B, s0  }
0xbe: {  	[sflag:s0] =	ssyncadd.remote.s32 $0x1  }
0xbf: {  	_ =	sfence.sel $0xFFFF  }
0xc0: {  	[dreg:$0x0] =	wrdreg $0xFFFFFFFF;
	(pc) =	sbr.abs _section_cstart, $3  }
0xc1: {  	[dreg:$0x1] =	wrdreg $0xFFFFFFFF  }
0xc2: {  	_ =	task.clear_ibuf [dreg:s7], $0x2FFFF;
	_ =	strace $0x9FFFFFFF  }
0xc3: {  	(tm) =	ssettm $0x7FFFFFFF  }
tec
execute0_lowered:
.L_overlay_start_1:
0x0: {  	(tag) =	ssettag $0x1  }
0x1: {  	s5 =	rddreg [dreg:$0x0]  }
0x2: {  	s6 =	rddreg [dreg:$0x1]  }
0x3: {  	s2 =	rddreg [dreg:$0x2]  }
0x4: {  	s0 =	rddreg [dreg:$0x3];
	s3 =	simm.s32 $0x0;
	s4 =	srdreg.scid  }
0x5: {  	s1 =	stileid.u32;
	s18 =	simm.s32 $0x14000;
	s19 =	simm.s32 $0x2  }
0x6: {  	s20 =	simm.s32 $0x16800;
	s21 =	simm.s32 $0x19000;
	s22 =	simm.s32 $0x80  }
0x7: {  	s23 =	simm.s32 $0x1;
	s24 =	simm.s32 $0x0;
	s8 =	smul.u32 $0x280, s1  }
0x8: {  	s7 =	sand.u32 $0x1, s4;
	s28 =	sshll.u32 s1, $0x1;
	s29 =	smul.u32 $0x50000, s1  }
0x9: {  	[smem:$0x7FF] =	sst s3;
	s4 =	sor.u32 s7, s28;
	s9 =	smul.u32 $0x2800, s7  }
0xa: {  	_ =	strace $0x8000004D;
	s7 =	ssub.s32 $0x2, s7;
	s10 =	smul.u32 $0x500, s4  }
0xb: {  	s4 =	sadd.s32 $0x5CA00, s5;
	s30 =	sshrl.u32 s7, $0x1;
	s8 =	sadd.s32 s8, s9  }
0xc: {  	s31 =	sshrl.u32 s29, $0x2;
	s17 =	ssub.s32 s7, s30;
	s8 =	sshll.u32 s8, $0x4  }
0xd: {  	s11 =	sadd.s32 s10, s5;
	s17 =	smax.u32 s17, $0x1;
	s16 =	sadd.s32 s8, s5  }
0xe: {  	s5 =	sadd.s32 s6, s10;
	s6 =	sadd.s32 s31, s2;
	s7 =	sadd.s32 $0x2A00, s11  }
0xf: {  	s8 =	sadd.s32 $0x4000, s6;
	s9 =	sadd.s32 $0x8000, s6;
	s10 =	sadd.s32 $0xC000, s6  }
0x10: {  	s11 =	sadd.s32 $0x10000, s6;
	s12 =	sadd.s32 $0x84A00, s16;
	s13 =	sadd.s32 $0x85200, s16  }
0x11: {  	v0 =	vimm.f32 $0.0e+00;
	s14 =	sadd.s32 $0x85A00, s16;
	s15 =	sadd.s32 $0x86200, s16;
	s16 =	sadd.s32 $0x86A00, s16  }
.LBB2_1:
0x12: {  	[tilespmem:s18], [sflag:$0x2] =	stream.linear.gather [hbm4b:s5+s3], $0x2800, $0x38;
	[tilespmem:$0x1D000] =	vst v63  }
0x13: {  	_ =	swait.ge [sflag:s19], $0x2800  }
0x14: {  	[sflag:s19] =	ssyncset.done $0x0  }
0x15: {  	[sflag:s19] =	ssyncadd.s32 $0xFFFFD800  }
0x16: {  	[tilespmem:s20], [sflag:$0x2] =	stream.linear.gather [hbm4b:s7+s3], $0x2800, $0x38;
	[tilespmem:$0x1D000] =	vst v63  }
0x17: {  	s25 =	sand.u32 $0xFE00, s3;
	s26 =	sand.u32 $0x70, s3;
	_ =	swait.ge [sflag:s19], $0x2800  }
0x18: {  	s28 =	sshrl.u32 s25, $0x2;
	s25 =	simm.s32 $0x40;
	[sflag:s19] =	ssyncset.done $0x0  }
0x19: {  	s28 =	sor.u32 s26, s28;
	s26 =	simm.s32 $0x0;
	[sflag:s19] =	ssyncadd.s32 $0xFFFFD800  }
.LBB2_2:
0x1a: {  	p0 =	sne.s32 s25, $0xFFC0  }
0x1b: {  	[tilespmem:s28+$0x19000] =	vst v0;
	s26 =	sadd.s32 $0x10, s26;
	s28 =	smov.u32 s25;
	s25 =	sadd.s32 $0x40, s25  }
.Ltmp0:
0x1c: {  	(pc) =	sbr.rel @p0 .LBB2_2-.Ltmp0, $4  }
0x1d: {  	_ = 	snop  }
0x1e: {  	s28 =	sand.u32 $0xFE00, s28  }
0x1f: {  	s29 =	sand.u32 $0x70, s26;
	s28 =	sshrl.u32 s28, $0x2  }
0x20: {  	s28 =	sor.u32 s29, s28  }
0x21: {  	[tilespmem:s28+$0x19000] =	vst v0  }
0x22: {  	[spmem:s6] =	stream.linear.scatter [tilespmem:s21], [sflag:$0x2], $0x4000, $0x38;
	[tilespmem:$0x1D000] =	vst v63  }
0x23: {  	_ =	swait.ge [sflag:s19], $0x4000  }
0x24: {  	[sflag:s19] =	ssyncset.done $0x0  }
0x25: {  	[sflag:s19] =	ssyncadd.s32 $0xFFFFC000  }
0x26: {  	[spmem:s8] =	stream.linear.scatter [tilespmem:s21], [sflag:$0x2], $0x4000, $0x38;
	[tilespmem:$0x1D000] =	vst v63  }
0x27: {  	_ =	swait.ge [sflag:s19], $0x4000  }
0x28: {  	[sflag:s19] =	ssyncset.done $0x0  }
0x29: {  	[sflag:s19] =	ssyncadd.s32 $0xFFFFC000  }
0x2a: {  	[spmem:s9] =	stream.linear.scatter [tilespmem:s21], [sflag:$0x2], $0x4000, $0x38;
	[tilespmem:$0x1D000] =	vst v63  }
0x2b: {  	_ =	swait.ge [sflag:s19], $0x4000  }
0x2c: {  	[sflag:s19] =	ssyncset.done $0x0  }
0x2d: {  	[sflag:s19] =	ssyncadd.s32 $0xFFFFC000  }
0x2e: {  	[spmem:s10] =	stream.linear.scatter [tilespmem:s21], [sflag:$0x2], $0x4000, $0x38;
	[tilespmem:$0x1D000] =	vst v63  }
0x2f: {  	_ =	swait.ge [sflag:s19], $0x4000  }
0x30: {  	[sflag:s19] =	ssyncset.done $0x0  }
0x31: {  	[sflag:s19] =	ssyncadd.s32 $0xFFFFC000  }
0x32: {  	[spmem:s11] =	stream.linear.scatter [tilespmem:s21], [sflag:$0x2], $0x4000, $0x38;
	[tilespmem:$0x1D000] =	vst v63  }
0x33: {  	_ =	swait.ge [sflag:s19], $0x4000  }
0x34: {  	[sflag:s19] =	ssyncset.done $0x0  }
0x35: {  	[sflag:s19] =	ssyncadd.s32 $0xFFFFC000  }
0x36: {  	s25 =	simm.s32 $0x14000;
	[bflag:$0x0] =	sbarrier.arrive $0xFFFF  }
0x37: {  	[tilespmem:s21], [sflag:$0x1] =	stream.indirect.gather [hbm4b:s4+s22], $0x80, s25, s22, $0xb8;
	[tilespmem:$0x1D000] =	vst v63  }
0x38: {  	_ =	swait.ge [sflag:s23], $0x4000  }
0x39: {  	[sflag:s23] =	ssyncset.done $0x0  }
0x3a: {  	s31 =	simm.s32 $0x16800;
	[sflag:s23] =	ssyncadd.s32 $0xFFFFC000  }
0x3b: {  	[spmem:s2] =	stream.indirect.scatter.add.f32 [tilespmem:s21], [sflag:$0x2], $0x80, s31, s22, $0xb8;
	[tilespmem:$0x1D000] =	vst v63  }
0x3c: {  	_ =	swait.ge [sflag:s19], $0x4000  }
0x3d: {  	s26 =	simm.s32 $0x400;
	s25 =	simm.s32 $0x80;
	[sflag:s19] =	ssyncset.done $0x0  }
.LBB2_4:
0x3e: {  	s28 =	sadd.s32 $0x14000, s25  }
0x3f: {  	[sflag:s19] =	ssyncadd.s32 $0xFFFFC000;
	s29 =	smov.u32 s26;
	s30 =	sadd.s32 $0x200, s26  }
0x40: {  	[tilespmem:s21], [sflag:$0x1] =	stream.indirect.gather [hbm4b:s4+s22], $0x80, s28, s22, $0xb8;
	[tilespmem:$0x1D000] =	vst v63  }
0x41: {  	p0 =	sne.s32 s26, $0x9E00;
	_ =	swait.ge [sflag:s23], $0x4000  }
.Ltmp1:
0x42: {  	[sflag:s23] =	ssyncset.done $0x0;
	(pc) =	sbr.rel @p0 .LBB2_4-.Ltmp1, $4  }
0x43: {  	s25 =	sadd.s32 $0x16800, s25;
	[sflag:s23] =	ssyncadd.s32 $0xFFFFC000  }
0x44: {  	[spmem:s2] =	stream.indirect.scatter.add.f32 [tilespmem:s21], [sflag:$0x2], $0x80, s25, s22, $0xb8;
	[tilespmem:$0x1D000] =	vst v63  }
0x45: {  	_ =	swait.ge [sflag:s19], $0x4000  }
0x46: {  	s26 =	smov.u32 s30;
	s25 =	sshra.s32 s29, $0x2;
	[sflag:s19] =	ssyncset.done $0x0  }
0x47: {  	s26 =	sadd.s32 $0x14000, s25;
	[sflag:s19] =	ssyncadd.s32 $0xFFFFC000  }
0x48: {  	[tilespmem:s21], [sflag:$0x1] =	stream.indirect.gather [hbm4b:s4+s22], $0x80, s26, s22, $0xb8;
	[tilespmem:$0x1D000] =	vst v63  }
0x49: {  	_ =	swait.ge [sflag:s23], $0x4000  }
0x4a: {  	[sflag:s23] =	ssyncset.done $0x0  }
0x4b: {  	s31 =	sadd.s32 $0x16800, s25;
	[sflag:s23] =	ssyncadd.s32 $0xFFFFC000  }
0x4c: {  	[spmem:s2] =	stream.indirect.scatter.add.f32 [tilespmem:s21], [sflag:$0x2], $0x80, s31, s22, $0xb8;
	[tilespmem:$0x1D000] =	vst v63  }
0x4d: {  	_ =	swait.ge [sflag:s19], $0x4000  }
0x4e: {  	[sflag:s19] =	ssyncset.done $0x0  }
0x4f: {  	[sflag:s19] =	ssyncadd.s32 $0xFFFFC000  }
0x50: {  	[bflag:$0x0] =	sbarrier.arrive $0xFFFF  }
0x51: {  	[tilespmem:s21], [sflag:$0x2] =	stream.linear.gather [spmem:s6], $0x4000, $0x38;
	[tilespmem:$0x1D000] =	vst v63  }
0x52: {  	_ =	swait.ge [sflag:s19], $0x4000  }
0x53: {  	[sflag:s19] =	ssyncset.done $0x0  }
0x54: {  	[sflag:s19] =	ssyncadd.s32 $0xFFFFC000  }
0x55: {  	[hbm4b:s12+s3] =	stream.linear.scatter [tilespmem:s21], [sflag:$0x2], $0x4000, $0x38;
	[tilespmem:$0x1D000] =	vst v63  }
0x56: {  	_ =	swait.ge [sflag:s19], $0x4000  }
0x57: {  	[sflag:s19] =	ssyncset.done $0x0  }
0x58: {  	[sflag:s19] =	ssyncadd.s32 $0xFFFFC000  }
0x59: {  	[tilespmem:s21], [sflag:$0x2] =	stream.linear.gather [spmem:s8], $0x4000, $0x38;
	[tilespmem:$0x1D000] =	vst v63  }
0x5a: {  	_ =	swait.ge [sflag:s19], $0x4000  }
0x5b: {  	[sflag:s19] =	ssyncset.done $0x0  }
0x5c: {  	[sflag:s19] =	ssyncadd.s32 $0xFFFFC000  }
0x5d: {  	[hbm4b:s13+s3] =	stream.linear.scatter [tilespmem:s21], [sflag:$0x2], $0x4000, $0x38;
	[tilespmem:$0x1D000] =	vst v63  }
0x5e: {  	_ =	swait.ge [sflag:s19], $0x4000  }
0x5f: {  	[sflag:s19] =	ssyncset.done $0x0  }
0x60: {  	[sflag:s19] =	ssyncadd.s32 $0xFFFFC000  }
0x61: {  	[tilespmem:s21], [sflag:$0x2] =	stream.linear.gather [spmem:s9], $0x4000, $0x38;
	[tilespmem:$0x1D000] =	vst v63  }
0x62: {  	_ =	swait.ge [sflag:s19], $0x4000  }
0x63: {  	[sflag:s19] =	ssyncset.done $0x0  }
0x64: {  	[sflag:s19] =	ssyncadd.s32 $0xFFFFC000  }
0x65: {  	[hbm4b:s14+s3] =	stream.linear.scatter [tilespmem:s21], [sflag:$0x2], $0x4000, $0x38;
	[tilespmem:$0x1D000] =	vst v63  }
0x66: {  	_ =	swait.ge [sflag:s19], $0x4000  }
0x67: {  	[sflag:s19] =	ssyncset.done $0x0  }
0x68: {  	[sflag:s19] =	ssyncadd.s32 $0xFFFFC000  }
0x69: {  	[tilespmem:s21], [sflag:$0x2] =	stream.linear.gather [spmem:s10], $0x4000, $0x38;
	[tilespmem:$0x1D000] =	vst v63  }
0x6a: {  	_ =	swait.ge [sflag:s19], $0x4000  }
0x6b: {  	[sflag:s19] =	ssyncset.done $0x0  }
0x6c: {  	[sflag:s19] =	ssyncadd.s32 $0xFFFFC000  }
0x6d: {  	[hbm4b:s15+s3] =	stream.linear.scatter [tilespmem:s21], [sflag:$0x2], $0x4000, $0x38;
	[tilespmem:$0x1D000] =	vst v63  }
0x6e: {  	_ =	swait.ge [sflag:s19], $0x4000  }
0x6f: {  	[sflag:s19] =	ssyncset.done $0x0  }
0x70: {  	[sflag:s19] =	ssyncadd.s32 $0xFFFFC000  }
0x71: {  	[tilespmem:s21], [sflag:$0x2] =	stream.linear.gather [spmem:s11], $0x4000, $0x38;
	[tilespmem:$0x1D000] =	vst v63  }
0x72: {  	s24 =	sadd.s32 $0x1, s24;
	_ =	swait.ge [sflag:s19], $0x4000  }
0x73: {  	p0 =	sne.s32 s24, s17;
	[sflag:s19] =	ssyncset.done $0x0  }
.Ltmp2:
0x74: {  	[sflag:s19] =	ssyncadd.s32 $0xFFFFC000;
	(pc) =	sbr.rel @p0 .LBB2_1-.Ltmp2, $4  }
0x75: {  	[hbm4b:s16+s3] =	stream.linear.scatter [tilespmem:s21], [sflag:$0x2], $0x4000, $0x38;
	[tilespmem:$0x1D000] =	vst v63  }
0x76: {  	_ =	swait.ge [sflag:s19], $0x4000  }
0x77: {  	[sflag:s19] =	ssyncset.done $0x0  }
0x78: {  	[sflag:s19] =	ssyncadd.s32 $0xFFFFC000  }
0x79: {  	_ =	sfence.sel $0x180000  }
0x7a: {  	[bflag:$0x0] =	sbarrier.arrive $0xFFFF  }
0x7b: {  	p0 =	sne.s32 s1, $0x0;
	_ =	strace $0x9000004D  }
0x7c: {  	s0 =	sadd.s32 @!p0 $0x100000, s0;
	[bflag:$0x2] =	sbarrier.arrive $0xFFFF  }
0x7d: {  	[sflag:s0] =	ssyncadd.tile.s32 @!p0 $0x1;
	_ =	shalt  }
.Lfunc_end2:
_tile_overlayer_lowered:
.L_overlay_start_2:
0x7e: {  	(tag) =	ssettag $0x2  }
0x7f: {  	s0 =	rddreg [dreg:$0x0];
	s2 =	stileid.u32  }
0x80: {  	s1 =	rddreg [dreg:$0x1];
	p0 =	sne.s32 s2, $0x0  }
0x81: {  	s3 =	rddreg [dreg:$0x2];
	[bflag:$0x3] =	sbarrier.arrive $0xFFFF;
	s2 =	simm.s32 @!p0 $0x1C02  }
0x82: {  	[timem:s3], [sflag:s2] =	dma.local @!p0 [hbm:s0], s1  }
0x83: {  	s0 =	simm.s32 @!p0 $0x2  }
0x84: {  	_ =	swait.ge @!p0 [sflag:s0], s1  }
0x85: {  	s1 =	ssub.s32 @!p0 $0x0, s1;
	[sflag:s0] =	ssyncset.done @!p0 $0x0  }
0x86: {  	[sflag:s0] =	ssyncadd.s32 @!p0 s1  }
0x87: {  	[bflag:$0x3] =	sbarrier.arrive $0xFFFF  }
0x88: {  	_ =	shalt  }

// kernel: kernel.8.cloned.1.call-start
scs
__scs_entry_jumppad:
0x0: {  	(pc) =	sbr.rel $0x88, $3  }
0x1: {  	(tag) =	ssettag $0x0;
	lr =	simm.s32 $0x1  }
0x2: {  	[smem:$0x3F9B] =	sst lr;
	_ =	strace $0xD0000000  }
0x3: {  	_ = 	snop  }
0x4: {  	_ = 	snop  }
0x5: {  	_ = 	snop  }
0x6: {  	_ = 	snop  }
0x7: {  	_ = 	snop  }
__scs_overlays_trampoline_lowered:
0x8: {  	[smem:$0x3FAA] =	sst s0  }
0x9: {  	[smem:$0x3FAB] =	sst s1  }
0xa: {  	[smem:$0x3FAC] =	sst s2  }
0xb: {  	[smem:$0x3FAD] =	sst s3  }
0xc: {  	[smem:$0x3FAE] =	sst s4  }
0xd: {  	[smem:$0x3FAF] =	sst s5  }
0xe: {  	[smem:$0x3FB0] =	sst s6  }
0xf: {  	[smem:$0x3FB1] =	sst s7  }
0x10: {  	[smem:$0x3FB2] =	sst s8  }
0x11: {  	[smem:$0x3FB3] =	sst s9;
	s0 =	simm.s32 @!p0 $0x0  }
0x12: {  	s1 =	sld [smem:$0x3F99];
	s0 =	simm.s32 @p0 $0x1  }
0x13: {  	[smem:$0x3FB4] =	sst s0;
	s0 =	simm.s32 @!p1 $0x0  }
0x14: {  	s2 =	sld [smem:$0x3F98];
	s0 =	simm.s32 @p1 $0x1  }
0x15: {  	[smem:$0x3FB5] =	sst s0;
	s0 =	simm.s32 @!p2 $0x0  }
0x16: {  	s3 =	sld [smem:$0x3FDB];
	s0 =	simm.s32 @p2 $0x1  }
0x17: {  	s4 =	simm.s32 $0x1BF5;
	[smem:$0x3FB7] =	sst s0  }
0x18: {  	s0 =	sld [smem:$0x3F9A];
	_ =	swait.ge [sflag:s4], $0x0  }
0x19: {  	s7 =	sld [smem:$0x3F9B]  }
0x1a: {  	s8 =	sadd.s32 $0xFFFFE003, lr  }
0x1b: {  	s9 =	sadd.s32 $0xFFFFFEF7, lr;
	s5 =	simm.s32 $0xFFFFFFFF;
	p2 =	slt.u32 s8, $0xFFFFF086  }
0x1c: {  	p1 =	slt.u32 s9, $0xF7A;
	s5 =	simm.s32 @!p2 $0x0  }
0x1d: {  	s5 =	simm.s32 @p1 $0x1;
	p0 =	seq.s32 s7, s2  }
0x1e: {  	s7 =	smul.u32 @!p0 $0xF7A, s2;
	p2 =	seq.s32 @!p0 s5, $0x0  }
0x1f: {  	s9 =	smul.u32 $0xF7A, s1;
	s8 =	simm.s32 @!p0 $0x1BF5;
	p2 =	por !p2, p0  }
0x20: {  	[sflag:s8] =	ssyncset.s32 @!p0 $0xFFFFF086;
	s6 =	sadd.s32 @!p0 s3, s7;
	s7 =	simm.s32 @!p0 $0x108  }
0x21: {  	s3 =	sadd.s32 s3, s9;
	s6 =	sadd.s32 @!p0 $0x88, s6;
	s7 =	simm.s32 @p2 $0x1082  }
0x22: {  	[simem:s7], [sflag:s8] =	dma.local @!p0 [hbm:s6], $0xF7A  }
0x23: {  	s9 =	sor.u32 $0xD0000000, s2;
	s6 =	simm.s32 $0x108;
	_ =	swait.ge @!p0 [sflag:s8], $0x0  }
0x24: {  	s3 =	sadd.s32 $0x88, s3;
	s6 =	simm.s32 @!p1 $0x1082;
	[sflag:s4] =	ssyncset.s32 $0xFFFFF086  }
0x25: {  	[simem:s6], [sflag:s4] =	dma.local [hbm:s3], $0xF7A  }
0x26: {  	[smem:$0x3F9B] =	sst s1;
	(tag) =	ssettag s2;
	_ =	strace s9  }
0x27: {  	s1 =	sld [smem:$0x3FAB]  }
0x28: {  	s2 =	sld [smem:$0x3FAC]  }
0x29: {  	s4 =	sld [smem:$0x3FAE]  }
0x2a: {  	p0 =	seq.s32 s5, $0x0;
	s5 =	sld [smem:$0x3FAF]  }
0x2b: {  	s6 =	sld [smem:$0x3FB0]  }
0x2c: {  	s7 =	sld [smem:$0x3FB1]  }
0x2d: {  	s3 =	simm.s32 $0x108;
	s8 =	sld [smem:$0x3FB2]  }
0x2e: {  	s3 =	simm.s32 @!p0 $0x1082;
	s9 =	sld [smem:$0x3FB3]  }
0x2f: {  	lr =	sadd.s32 s0, s3;
	s0 =	sld [smem:$0x3FAA]  }
0x30: {  	s3 =	sld [smem:$0x3FAD]  }
0x31: {  	[smem:$0x3FB6] =	sst s10  }
0x32: {  	s10 =	sld [smem:$0x3FB4];
	_ =	sdelay $0x3  }
0x33: {  	p0 =	seq.s32 s10, $0x1;
	s10 =	sld [smem:$0x3FB6];
	_ =	sdelay $0x3  }
0x34: {  	[smem:$0x3FB6] =	sst s10  }
0x35: {  	s10 =	sld [smem:$0x3FB5];
	_ =	sdelay $0x3  }
0x36: {  	p1 =	seq.s32 s10, $0x1;
	s10 =	sld [smem:$0x3FB6];
	_ =	sdelay $0x3  }
0x37: {  	[smem:$0x3FB6] =	sst s10  }
0x38: {  	s10 =	sld [smem:$0x3FB7]  }
0x39: {  	_ = 	snop;
	(pc) =	sbr.ind lr, $3  }
0x3a: {  	_ = 	snop  }
0x3b: {  	_ = 	snop  }
0x3c: {  	p2 =	seq.s32 s10, $0x1;
	s10 =	sld [smem:$0x3FB6]  }
0x3d: {  	_ =	shalt  }
0x3e: {  	_ =	shalt  }
0x3f: {  	_ =	shalt  }
0x40: {  	_ =	shalt  }
0x41: {  	_ =	shalt  }
0x42: {  	_ =	shalt  }
0x43: {  	_ =	shalt  }
0x44: {  	_ =	shalt  }
0x45: {  	_ =	shalt  }
0x46: {  	_ =	shalt  }
0x47: {  	_ =	shalt  }
0x48: {  	_ =	shalt  }
0x49: {  	_ =	shalt  }
0x4a: {  	_ =	shalt  }
0x4b: {  	_ =	shalt  }
0x4c: {  	_ =	shalt  }
0x4d: {  	_ =	shalt  }
0x4e: {  	_ =	shalt  }
0x4f: {  	_ =	shalt  }
0x50: {  	_ =	shalt  }
0x51: {  	_ =	shalt  }
0x52: {  	_ =	shalt  }
0x53: {  	_ =	shalt  }
0x54: {  	_ =	shalt  }
0x55: {  	_ =	shalt  }
0x56: {  	_ =	shalt  }
0x57: {  	_ =	shalt  }
0x58: {  	_ =	shalt  }
0x59: {  	_ =	shalt  }
0x5a: {  	_ =	shalt  }
0x5b: {  	_ =	shalt  }
0x5c: {  	_ =	shalt  }
0x5d: {  	_ =	shalt  }
0x5e: {  	_ =	shalt  }
0x5f: {  	_ =	shalt  }
0x60: {  	_ =	shalt  }
0x61: {  	_ =	shalt  }
0x62: {  	_ =	shalt  }
0x63: {  	_ =	shalt  }
0x64: {  	_ =	shalt  }
0x65: {  	_ =	shalt  }
0x66: {  	_ =	shalt  }
0x67: {  	_ =	shalt  }
0x68: {  	_ =	shalt  }
0x69: {  	_ =	shalt  }
0x6a: {  	_ =	shalt  }
0x6b: {  	_ =	shalt  }
0x6c: {  	_ =	shalt  }
0x6d: {  	_ =	shalt  }
0x6e: {  	_ =	shalt  }
0x6f: {  	_ =	shalt  }
0x70: {  	_ =	shalt  }
0x71: {  	_ =	shalt  }
0x72: {  	_ =	shalt  }
0x73: {  	_ =	shalt  }
0x74: {  	_ =	shalt  }
0x75: {  	_ =	shalt  }
0x76: {  	_ =	shalt  }
0x77: {  	_ =	shalt  }
0x78: {  	_ =	shalt  }
0x79: {  	_ =	shalt  }
0x7a: {  	_ =	shalt  }
0x7b: {  	_ =	shalt  }
0x7c: {  	_ =	shalt  }
0x7d: {  	_ =	shalt  }
0x7e: {  	_ =	shalt  }
0x7f: {  	_ =	shalt  }
0x80: {  	_ =	shalt  }
0x81: {  	_ =	shalt  }
0x82: {  	_ =	shalt  }
0x83: {  	_ =	shalt  }
0x84: {  	_ =	shalt  }
0x85: {  	_ =	shalt  }
0x86: {  	_ =	shalt  }
0x87: {  	_ =	shalt  }
.Lfunc_end0:
.L_simem_size_0:
called_computation_lowered:
.L_overlay_start_0:
0x88: {  	s2 =	sld [smem:$0x3FD9]  }
0x89: {  	s3 =	sld [smem:$0x3FFE];
	_ =	sdelay $0x1  }
0x8a: {  	s1 =	srdreg.scid  }
0x8b: {  	s0 =	sand.u32 $0x1, s1  }
0x8c: {  	s16 =	sshll.u32 s0, $0xA;
	s2 =	sadd.s32 s3, s2  }
0x8d: {  	s2 =	sadd.s32 s2, s16  }
0x8e: {  	[smem:$0x3FC2] =	sst s2  }
0x8f: {  	_ = 	snop  }
0x90: {  	(tm) =	ssettm $0x1  }
0x91: {  	s17 =	sld [smem:$0x3FFB];
	_ =	sdelay $0x3  }
0x92: {  	_ =	strace s17  }
0x93: {  	s2 =	sld [smem:$0x3FFC];
	_ =	sdelay $0x3  }
0x94: {  	_ =	strace s2  }
0x95: {  	s2 =	sld [smem:$0x3FFD];
	_ =	sdelay $0x3  }
0x96: {  	_ =	strace s2  }
0x97: {  	_ =	strace $0x8FFFFFFF  }
0x98: {  	s18 =	sld [smem:$0x3FDB];
	_ =	sdelay $0x1  }
0x99: {  	s19 =	simm.s32 $_scs_section_size  }
0x9a: {  	s4 =	simm.s32 $_size__tile_overlayer_lowered;
	s5 =	simm.s32 $_tile_overlayer_lowered  }
0x9b: {  	s22 =	simm.s32 $0x1BFF;
	s21 =	sshll.u32 s5, $0x1;
	s2 =	sadd.s32 s19, s18  }
0x9c: {  	s6 =	simm.s32 $0x0;
	s20 =	sshll.u32 s4, $0x1;
	s4 =	sadd.s32 s21, s2  }
0x9d: {  	[timem:s6], [sflag:s22] =	dma.local [hbm:s4], s20  }
0x9e: {  	_ =	swait.ge [sflag:s22], s20  }
0x9f: {  	s3 =	ssub.s32 $0x0, s20;
	[sflag:s22] =	ssyncset.done $0x0  }
0xa0: {  	[sflag:s22] =	ssyncadd.s32 s3;
	_ =	sdelay $0x1  }
0xa1: {  	s23 =	simm.s32 $0x1B8B  }
0xa2: {  	_ =	swait.ge [sflag:s23], $0x1  }
0xa3: {  	[sflag:s23] =	ssyncset.done $0x0  }
0xa4: {  	s25 =	simm.s32 $0x1B8E;
	s24 =	sld [smem:$0x3FFE];
	[sflag:s23] =	ssyncadd.s32 $0xFFFFFFFF  }
0xa5: {  	s26 =	simm.s32 $execute0_lowered;
	[smem:$0x3FD2] =	sst s25  }
0xa6: {  	s4 =	sshll.u32 s26, $0x1;
	_ =	strace $0x80000046;
	[dreg:$0x1] =	wrdreg $0xFFFFFFFF  }
0xa7: {  	s28 =	simm.s32 $_size_execute0_lowered;
	s2 =	sadd.s32 s2, s4;
	[dreg:$0x0] =	wrdreg $0x0  }
0xa8: {  	s4 =	sshll.u32 s28, $0x1;
	[dreg:$0x2] =	wrdreg s2  }
0xa9: {  	[dreg:$0x3] =	wrdreg s4  }
0xaa: {  	[dreg:$0x4] =	wrdreg $0xC0  }
0xab: {  	_ =	task [dreg:s6], $0x5FFFF  }
0xac: {  	[dreg:$0x1] =	wrdreg $0xFFFFFFFF  }
0xad: {  	[dreg:$0x0] =	wrdreg $0x60  }
0xae: {  	[dreg:$0x2] =	wrdreg s24  }
0xaf: {  	[dreg:$0x3] =	wrdreg $0x0  }
0xb0: {  	[dreg:$0x4] =	wrdreg $0x9  }
0xb1: {  	_ =	task.clear_ibuf [dreg:s6], $0x5FFFF;
	_ =	strace $0x90000046  }
0xb2: {  	s29 =	simm.s32 $0x9;
	_ =	strace $0x80000048  }
0xb3: {  	_ =	swait.ge [sflag:s29], $0x1  }
0xb4: {  	[sflag:s29] =	ssyncadd.s32 $0xFFFFFFFF  }
0xb5: {  	_ =	strace $0x90000048  }
0xb6: {  	_ =	sfence  }
0xb7: {  	s30 =	sld [smem:$0x0];
	_ =	sdelay $0x2  }
0xb8: {  	s31 =	sshll.u32 s1, $0xD;
	s1 =	sshrl.u32 s1, $0x2  }
0xb9: {  	s3 =	sand.u32 $0x4000, s31;
	s1 =	sadd.s32 s1, s30  }
0xba: {  	s0 =	sor.u32 s3, s0;
	s1 =	sshll.u32 s1, $0x11  }
0xbb: {  	s0 =	sor.u32 s1, s0  }
0xbc: {  	s0 =	sadd.s32 $0x8F2B, s0  }
0xbd: {  	[sflag:s0] =	ssyncadd.remote.s32 $0x1  }
0xbe: {  	_ =	sfence.sel $0xFFFF  }
0xbf: {  	[dreg:$0x0] =	wrdreg $0xFFFFFFFF;
	(pc) =	sbr.abs _section_cstart, $3  }
0xc0: {  	[dreg:$0x1] =	wrdreg $0xFFFFFFFF  }
0xc1: {  	_ =	task.clear_ibuf [dreg:s6], $0x2FFFF;
	_ =	strace $0x9FFFFFFF  }
0xc2: {  	(tm) =	ssettm $0x7FFFFFFF  }
0xc3: {  	_ =	shalt  }
tec
execute0_lowered:
.L_overlay_start_1:
0x0: {  	(tag) =	ssettag $0x1  }
0x1: {  	s4 =	rddreg [dreg:$0x0]  }
0x2: {  	s2 =	rddreg [dreg:$0x1]  }
0x3: {  	s0 =	rddreg [dreg:$0x2];
	s3 =	srdreg.scid  }
0x4: {  	s1 =	stileid.u32;
	s16 =	simm.s32 $0x14000;
	s17 =	simm.s32 $0x1  }
0x5: {  	s18 =	simm.s32 $0x16800;
	s19 =	simm.s32 $0x80;
	s20 =	simm.s32 $0x0  }
0x6: {  	s5 =	sand.u32 $0x1, s3;
	s6 =	sshll.u32 s1, $0x1;
	s7 =	smul.u32 $0x280, s1  }
0x7: {  	s3 =	simm.s32 $0x0;
	s29 =	smul.u32 $0x50000, s1;
	s6 =	sor.u32 s5, s6  }
0x8: {  	s8 =	smul.u32 $0x2800, s5;
	[smem:$0x7FF] =	sst s3;
	s5 =	ssub.s32 $0x2, s5  }
0x9: {  	s6 =	smul.u32 $0x500, s6;
	_ =	strace $0x80000047;
	s30 =	sshrl.u32 s5, $0x1  }
0xa: {  	s31 =	sshrl.u32 s29, $0x2;
	s7 =	sadd.s32 s7, s8;
	s15 =	ssub.s32 s5, s30  }
0xb: {  	s5 =	sadd.s32 s31, s2;
	s6 =	sadd.s32 s6, s4;
	s7 =	sshll.u32 s7, $0x4  }
0xc: {  	s8 =	sadd.s32 $0xC000, s5;
	s9 =	sadd.s32 $0x10000, s5;
	s15 =	smax.u32 s15, $0x1  }
0xd: {  	s14 =	sadd.s32 s7, s4;
	s4 =	sadd.s32 $0x2A00, s6;
	s6 =	sadd.s32 $0x4000, s5  }
0xe: {  	s7 =	sadd.s32 $0x8000, s5;
	s10 =	sadd.s32 $0xCA00, s14;
	s11 =	sadd.s32 $0xD200, s14  }
0xf: {  	v0 =	vimm.f32 $0.0e+00;
	v1 =	vimm.f32 $1.000000000e+00;
	s12 =	sadd.s32 $0xDA00, s14;
	s13 =	sadd.s32 $0xE200, s14;
	s14 =	sadd.s32 $0xEA00, s14  }
.LBB2_1:
0x10: {  	[tilespmem:s16], [sflag:$0x1] =	stream.linear.gather [hbm4b:s4+s3], $0x2800, $0x38;
	[tilespmem:$0x1A800] =	vst v63  }
0x11: {  	s21 =	sand.u32 $0xFE00, s3;
	s22 =	sand.u32 $0x70, s3;
	_ =	swait.ge [sflag:s17], $0x2800  }
0x12: {  	s23 =	sshrl.u32 s21, $0x2;
	s21 =	simm.s32 $0x40;
	[sflag:s17] =	ssyncset.done $0x0  }
0x13: {  	s23 =	sor.u32 s22, s23;
	s22 =	simm.s32 $0x0;
	[sflag:s17] =	ssyncadd.s32 $0xFFFFD800  }
.LBB2_2:
0x14: {  	p0 =	sne.s32 s21, $0xFFC0  }
0x15: {  	[tilespmem:s23+$0x16800] =	vst v0;
	s22 =	sadd.s32 $0x10, s22;
	s23 =	smov.u32 s21;
	s21 =	sadd.s32 $0x40, s21  }
.Ltmp0:
0x16: {  	(pc) =	sbr.rel @p0 .LBB2_2-.Ltmp0, $4  }
0x17: {  	_ = 	snop  }
0x18: {  	s23 =	sand.u32 $0xFE00, s23  }
0x19: {  	s24 =	sand.u32 $0x70, s22;
	s23 =	sshrl.u32 s23, $0x2  }
0x1a: {  	s23 =	sor.u32 s24, s23  }
0x1b: {  	[tilespmem:s23+$0x16800] =	vst v0  }
0x1c: {  	[spmem:s5] =	stream.linear.scatter [tilespmem:s18], [sflag:$0x1], $0x4000, $0x38;
	[tilespmem:$0x1A800] =	vst v63  }
0x1d: {  	_ =	swait.ge [sflag:s17], $0x4000  }
0x1e: {  	[sflag:s17] =	ssyncset.done $0x0  }
0x1f: {  	[sflag:s17] =	ssyncadd.s32 $0xFFFFC000  }
0x20: {  	[spmem:s6] =	stream.linear.scatter [tilespmem:s18], [sflag:$0x1], $0x4000, $0x38;
	[tilespmem:$0x1A800] =	vst v63  }
0x21: {  	_ =	swait.ge [sflag:s17], $0x4000  }
0x22: {  	[sflag:s17] =	ssyncset.done $0x0  }
0x23: {  	[sflag:s17] =	ssyncadd.s32 $0xFFFFC000  }
0x24: {  	[spmem:s7] =	stream.linear.scatter [tilespmem:s18], [sflag:$0x1], $0x4000, $0x38;
	[tilespmem:$0x1A800] =	vst v63  }
0x25: {  	_ =	swait.ge [sflag:s17], $0x4000  }
0x26: {  	[sflag:s17] =	ssyncset.done $0x0  }
0x27: {  	[sflag:s17] =	ssyncadd.s32 $0xFFFFC000  }
0x28: {  	[spmem:s8] =	stream.linear.scatter [tilespmem:s18], [sflag:$0x1], $0x4000, $0x38;
	[tilespmem:$0x1A800] =	vst v63  }
0x29: {  	_ =	swait.ge [sflag:s17], $0x4000  }
0x2a: {  	[sflag:s17] =	ssyncset.done $0x0  }
0x2b: {  	s21 =	simm.s32 $0x0;
	[sflag:s17] =	ssyncadd.s32 $0xFFFFC000  }
0x2c: {  	[spmem:s9] =	stream.linear.scatter [tilespmem:s18], [sflag:$0x1], $0x4000, $0x38;
	[tilespmem:$0x1A800] =	vst v63  }
0x2d: {  	s22 =	sand.u32 $0xFE00, s21;
	_ =	swait.ge [sflag:s17], $0x4000  }
0x2e: {  	s31 =	sand.u32 $0x70, s21;
	s24 =	sshrl.u32 s22, $0x2;
	[sflag:s17] =	ssyncset.done $0x0  }
0x2f: {  	s22 =	simm.s32 $0x40;
	s23 =	sor.u32 s31, s24;
	[sflag:s17] =	ssyncadd.s32 $0xFFFFC000  }
.LBB2_4:
0x30: {  	p0 =	sne.s32 s22, $0xFFC0  }
0x31: {  	[tilespmem:s23+$0x16800] =	vst v1;
	s21 =	sadd.s32 $0x10, s21;
	s23 =	smov.u32 s22;
	s22 =	sadd.s32 $0x40, s22  }
.Ltmp1:
0x32: {  	(pc) =	sbr.rel @p0 .LBB2_4-.Ltmp1, $4  }
0x33: {  	_ = 	snop  }
0x34: {  	s23 =	sand.u32 $0xFE00, s23  }
0x35: {  	s24 =	sand.u32 $0x70, s21;
	s23 =	sshrl.u32 s23, $0x2  }
0x36: {  	s23 =	sor.u32 s24, s23  }
0x37: {  	[tilespmem:s23+$0x16800] =	vst v1  }
0x38: {  	s21 =	simm.s32 $0x14000;
	[bflag:$0x0] =	sbarrier.arrive $0xFFFF  }
0x39: {  	[spmem:s2] =	stream.indirect.scatter.add.f32 [tilespmem:s18], [sflag:$0x1], $0x80, s21, s19, $0xb8;
	[tilespmem:$0x1A800] =	vst v63  }
0x3a: {  	s21 =	simm.s32 $0x200;
	_ =	swait.ge [sflag:s17], $0x4000  }
.LBB2_6:
0x3b: {  	s22 =	sshra.s32 s21, $0x2;
	[sflag:s17] =	ssyncset.done $0x0;
	p0 =	sne.s32 s21, $0x9E00  }
.Ltmp2:
0x3c: {  	s22 =	sadd.s32 $0x14000, s22;
	[sflag:s17] =	ssyncadd.s32 $0xFFFFC000;
	(pc) =	sbr.rel @p0 .LBB2_6-.Ltmp2, $3  }
0x3d: {  	[spmem:s2] =	stream.indirect.scatter.add.f32 [tilespmem:s18], [sflag:$0x1], $0x80, s22, s19, $0xb8;
	[tilespmem:$0x1A800] =	vst v63  }
0x3e: {  	s21 =	sadd.s32 $0x200, s21;
	_ =	sdelay $0x1  }
0x3f: {  	_ =	swait.ge [sflag:s17], $0x4000  }
0x40: {  	[sflag:s17] =	ssyncset.done $0x0  }
0x41: {  	[sflag:s17] =	ssyncadd.s32 $0xFFFFC000  }
0x42: {  	[bflag:$0x0] =	sbarrier.arrive $0xFFFF  }
0x43: {  	[tilespmem:s18], [sflag:$0x1] =	stream.linear.gather [spmem:s5], $0x4000, $0x38;
	[tilespmem:$0x1A800] =	vst v63  }
0x44: {  	_ =	swait.ge [sflag:s17], $0x4000  }
0x45: {  	[sflag:s17] =	ssyncset.done $0x0  }
0x46: {  	[sflag:s17] =	ssyncadd.s32 $0xFFFFC000  }
0x47: {  	[hbm4b:s10+s3] =	stream.linear.scatter [tilespmem:s18], [sflag:$0x1], $0x4000, $0x38;
	[tilespmem:$0x1A800] =	vst v63  }
0x48: {  	_ =	swait.ge [sflag:s17], $0x4000  }
0x49: {  	[sflag:s17] =	ssyncset.done $0x0  }
0x4a: {  	[sflag:s17] =	ssyncadd.s32 $0xFFFFC000  }
0x4b: {  	[tilespmem:s18], [sflag:$0x1] =	stream.linear.gather [spmem:s6], $0x4000, $0x38;
	[tilespmem:$0x1A800] =	vst v63  }
0x4c: {  	_ =	swait.ge [sflag:s17], $0x4000  }
0x4d: {  	[sflag:s17] =	ssyncset.done $0x0  }
0x4e: {  	[sflag:s17] =	ssyncadd.s32 $0xFFFFC000  }
0x4f: {  	[hbm4b:s11+s3] =	stream.linear.scatter [tilespmem:s18], [sflag:$0x1], $0x4000, $0x38;
	[tilespmem:$0x1A800] =	vst v63  }
0x50: {  	_ =	swait.ge [sflag:s17], $0x4000  }
0x51: {  	[sflag:s17] =	ssyncset.done $0x0  }
0x52: {  	[sflag:s17] =	ssyncadd.s32 $0xFFFFC000  }
0x53: {  	[tilespmem:s18], [sflag:$0x1] =	stream.linear.gather [spmem:s7], $0x4000, $0x38;
	[tilespmem:$0x1A800] =	vst v63  }
0x54: {  	_ =	swait.ge [sflag:s17], $0x4000  }
0x55: {  	[sflag:s17] =	ssyncset.done $0x0  }
0x56: {  	[sflag:s17] =	ssyncadd.s32 $0xFFFFC000  }
0x57: {  	[hbm4b:s12+s3] =	stream.linear.scatter [tilespmem:s18], [sflag:$0x1], $0x4000, $0x38;
	[tilespmem:$0x1A800] =	vst v63  }
0x58: {  	_ =	swait.ge [sflag:s17], $0x4000  }
0x59: {  	[sflag:s17] =	ssyncset.done $0x0  }
0x5a: {  	[sflag:s17] =	ssyncadd.s32 $0xFFFFC000  }
0x5b: {  	[tilespmem:s18], [sflag:$0x1] =	stream.linear.gather [spmem:s8], $0x4000, $0x38;
	[tilespmem:$0x1A800] =	vst v63  }
0x5c: {  	_ =	swait.ge [sflag:s17], $0x4000  }
0x5d: {  	[sflag:s17] =	ssyncset.done $0x0  }
0x5e: {  	[sflag:s17] =	ssyncadd.s32 $0xFFFFC000  }
0x5f: {  	[hbm4b:s13+s3] =	stream.linear.scatter [tilespmem:s18], [sflag:$0x1], $0x4000, $0x38;
	[tilespmem:$0x1A800] =	vst v63  }
0x60: {  	_ =	swait.ge [sflag:s17], $0x4000  }
0x61: {  	[sflag:s17] =	ssyncset.done $0x0  }
0x62: {  	[sflag:s17] =	ssyncadd.s32 $0xFFFFC000  }
0x63: {  	[tilespmem:s18], [sflag:$0x1] =	stream.linear.gather [spmem:s9], $0x4000, $0x38;
	[tilespmem:$0x1A800] =	vst v63  }
0x64: {  	s20 =	sadd.s32 $0x1, s20;
	_ =	swait.ge [sflag:s17], $0x4000  }
0x65: {  	p0 =	sne.s32 s20, s15;
	[sflag:s17] =	ssyncset.done $0x0  }
.Ltmp3:
0x66: {  	[sflag:s17] =	ssyncadd.s32 $0xFFFFC000;
	(pc) =	sbr.rel @p0 .LBB2_1-.Ltmp3, $4  }
0x67: {  	[hbm4b:s14+s3] =	stream.linear.scatter [tilespmem:s18], [sflag:$0x1], $0x4000, $0x38;
	[tilespmem:$0x1A800] =	vst v63  }
0x68: {  	_ =	swait.ge [sflag:s17], $0x4000  }
0x69: {  	[sflag:s17] =	ssyncset.done $0x0  }
0x6a: {  	[sflag:s17] =	ssyncadd.s32 $0xFFFFC000  }
0x6b: {  	_ =	sfence.sel $0x180000  }
0x6c: {  	[bflag:$0x0] =	sbarrier.arrive $0xFFFF  }
0x6d: {  	p0 =	sne.s32 s1, $0x0;
	_ =	strace $0x90000047  }
0x6e: {  	s0 =	sadd.s32 @!p0 $0x100000, s0;
	[bflag:$0x2] =	sbarrier.arrive $0xFFFF  }
0x6f: {  	[sflag:s0] =	ssyncadd.tile.s32 @!p0 $0x1;
	_ =	shalt  }
.Lfunc_end2:
_tile_overlayer_lowered:
.L_overlay_start_2:
0x70: {  	(tag) =	ssettag $0x2  }
0x71: {  	s0 =	rddreg [dreg:$0x0];
	s2 =	stileid.u32  }
0x72: {  	s1 =	rddreg [dreg:$0x1];
	p0 =	sne.s32 s2, $0x0  }
0x73: {  	s3 =	rddreg [dreg:$0x2];
	[bflag:$0x3] =	sbarrier.arrive $0xFFFF;
	s2 =	simm.s32 @!p0 $0x1C01  }
0x74: {  	[timem:s3], [sflag:s2] =	dma.local @!p0 [hbm:s0], s1  }
0x75: {  	s0 =	simm.s32 @!p0 $0x1  }
0x76: {  	_ =	swait.ge @!p0 [sflag:s0], s1  }
0x77: {  	s1 =	ssub.s32 @!p0 $0x0, s1;
	[sflag:s0] =	ssyncset.done @!p0 $0x0  }
0x78: {  	[sflag:s0] =	ssyncadd.s32 @!p0 s1  }
0x79: {  	[bflag:$0x3] =	sbarrier.arrive $0xFFFF  }
0x7a: {  	_ =	shalt  }

</sc_bundles>
